<compile_context>
chip_gen: v7x
topology: tpu7x:2x2x1
jax: 0.10.2.dev20260603
libtpu: 0.0.44.dev20260713+nightly
codegen_flags: <defaults>
</compile_context>

<pallas_src>
import functools

import jax
import jax.numpy as jnp
from jax import lax
from jax.experimental import pallas as pl
from jax.experimental.pallas import tpu as pltpu
from jax.experimental.pallas import tpu_sc as plsc

_NC = 2
_NS = 16
_NW = _NC * _NS
_CHUNK = 128
_BLK = 32768


def _tc_project_table(tableT, W, b):
    d, v = tableT.shape
    o = W.shape[0]
    grid = (v + _BLK - 1) // _BLK

    def body(t_ref, w_ref, b_ref, *o_refs):
        res = lax.dot_general(
            w_ref[...], t_ref[...], (((1,), (0,)), ((), ())),
            preferred_element_type=jnp.float32,
        )
        for j in range(o):
            o_refs[j][...] = res[j, :] + b_ref[j]

    return pl.pallas_call(
        body,
        grid=(grid,),
        in_specs=[
            pl.BlockSpec((d, _BLK), lambda i: (0, i)),
            pl.BlockSpec((o, d), lambda i: (0, 0)),
            pl.BlockSpec(memory_space=pltpu.SMEM),
        ],
        out_specs=tuple(pl.BlockSpec((_BLK,), lambda i: (i,)) for _ in range(o)),
        out_shape=tuple(
            jax.ShapeDtypeStruct((v,), jnp.float32) for _ in range(o)
        ),
    )(tableT, W, b)


def _sc_gather_cols(cols, idx):
    o = len(cols)
    batch = idx.shape[0]
    b_per_w = batch // _NW
    n_chunks = b_per_w // _CHUNK

    mesh = plsc.VectorSubcoreMesh(core_axis_name="c", subcore_axis_name="s")

    @functools.partial(
        pl.kernel,
        mesh=mesh,
        out_type=jax.ShapeDtypeStruct((o, batch), jnp.float32),
        scratch_types=[
            pltpu.VMEM((b_per_w,), jnp.int32),
            pltpu.VMEM((o, b_per_w), jnp.float32),
            pltpu.SemaphoreType.DMA,
        ],
    )
    def gather(*refs):
        col_hbms = refs[:o]
        idx_hbm = refs[o]
        out_hbm = refs[o + 1]
        idx_v, vals_v, sem = refs[o + 2], refs[o + 3], refs[o + 4]
        wid = lax.axis_index("s") * _NC + lax.axis_index("c")
        pltpu.sync_copy(idx_hbm.at[pl.ds(wid * b_per_w, b_per_w)], idx_v)
        copies = []
        for j in range(o):
            for i in range(n_chunks):
                copies.append(
                    pltpu.async_copy(
                        col_hbms[j].at[idx_v.at[pl.ds(i * _CHUNK, _CHUNK)]],
                        vals_v.at[j, pl.ds(i * _CHUNK, _CHUNK)],
                        sem,
                    )
                )
        for cp in copies:
            cp.wait()
        pltpu.sync_copy(
            vals_v, out_hbm.at[:, pl.ds(wid * b_per_w, b_per_w)]
        )

    return gather(*cols, idx)


def kernel(x_id, table, W, b):
    tableT = table.T
    cols = _tc_project_table(tableT, W, b)
    pout = _sc_gather_cols(cols, x_id.astype(jnp.int32))
    return pout.T

# --- scband reference (transcript-rebuilt; emitter-appended) ---
"""Pipeline reference for scband-mlp3-18038862643229 (READ-ONLY COPY).

The authoritative reference and input builder live on the scoring server;
editing this copy changes nothing except your own understanding.
"""

import jax, jax.numpy as jnp
import numpy as np

TOTAL_LEN = 1000000
EMBED_DIM = 64
OUT_DIM = 10
BATCH = 16384

def setup_inputs(seed: int = 0) -> dict:
    key = jax.random.key(seed)
    k1, k2 = jax.random.split(key, 2)
    x_id = jax.random.randint(k1, (BATCH,), 0, TOTAL_LEN, dtype=jnp.int64) if jax.config.jax_enable_x64 else jax.random.randint(k1, (BATCH,), 0, TOTAL_LEN, dtype=jnp.int32)
    # Embedding table initialized like nn.Embedding (normal)
    table = jax.random.normal(k2, (TOTAL_LEN, EMBED_DIM), dtype=jnp.float32)
    # linear3 weight/bias filled with 0.01 per the module __init__
    W = jnp.full((OUT_DIM, EMBED_DIM), 0.01, dtype=jnp.float32)
    b = jnp.full((OUT_DIM,), 0.01, dtype=jnp.float32)
    return {"x_id": x_id, "table": table, "W": W, "b": b}

def reference(x_id, table, W, b):
    hidden = jnp.take(table, x_id, axis=0)          # embedding lookup: [B, 64]
    output = hidden @ W.T + b                        # linear3: [B, 10]
    return output

if __name__ == "__main__":
    import jax
    _d = setup_inputs()
    print(jax.jit(kernel)(*tuple(_d.values())))

</pallas_src>

<mosaic_0001>
#map = affine_map<(d0, d1) -> (0)>
#map1 = affine_map<(d0, d1) -> (0, 0)>
module attributes {stable_mosaic.version = 14 : i64} {
  func.func @gather(%arg0: i32, %arg1: i32, %arg2: memref<1000000xf32, #tpu.memory_space<hbm>>, %arg3: memref<1000000xf32, #tpu.memory_space<hbm>>, %arg4: memref<1000000xf32, #tpu.memory_space<hbm>>, %arg5: memref<1000000xf32, #tpu.memory_space<hbm>>, %arg6: memref<1000000xf32, #tpu.memory_space<hbm>>, %arg7: memref<1000000xf32, #tpu.memory_space<hbm>>, %arg8: memref<1000000xf32, #tpu.memory_space<hbm>>, %arg9: memref<1000000xf32, #tpu.memory_space<hbm>>, %arg10: memref<1000000xf32, #tpu.memory_space<hbm>>, %arg11: memref<1000000xf32, #tpu.memory_space<hbm>>, %arg12: memref<16384xi32, #tpu.memory_space<hbm>>, %arg13: memref<10x16384xf32, #tpu.memory_space<hbm>>, %arg14: memref<512xi32, #tpu.memory_space<vmem>>, %arg15: memref<10x512xf32, #tpu.memory_space<vmem>>, %arg16: memref<!tpu.dma_semaphore, #tpu.memory_space<semaphore_mem>>) attributes {dimension_semantics = [#tpu.dimension_semantics<core_parallel>, #tpu.dimension_semantics<subcore_parallel>], iteration_bounds = array<i64: 2, 16>, scalar_prefetch = 0 : i64, scratch_operands = 3 : i64, tpu.core_type = #tpu.core_type<sc_vector_subcore>, window_params = [{transform_indices = #map}, {transform_indices = #map}, {transform_indices = #map}, {transform_indices = #map}, {transform_indices = #map}, {transform_indices = #map}, {transform_indices = #map}, {transform_indices = #map}, {transform_indices = #map}, {transform_indices = #map}, {transform_indices = #map}, {transform_indices = #map1}]} {
    %mul3A = arith.constant 2 : i32
    %mul3A_0 = arith.muli %arg1, %mul3A : i32
    %add3A = arith.addi %mul3A_0, %arg0 : i32
    %mul3A_1 = arith.constant 512 : i32
    %mul3A_2 = arith.muli %add3A, %mul3A_1 : i32
    "tpu.region"() ({
      %run_scoped3A = tpu.sem_alloc : memref<!tpu.dma_semaphore, #tpu.memory_space<semaphore_mem>>
      %dma_start3A_643 = tpu.memref_slice %arg12[%mul3A_2] : memref<16384xi32, #tpu.memory_space<hbm>> -> memref<512xi32, #tpu.memory_space<hbm>>
      %dma_start3A_644 = tpu.memref_slice %arg12[%mul3A_2] : memref<16384xi32, #tpu.memory_space<hbm>> -> memref<512xi32, #tpu.memory_space<hbm>>
      tpu.enqueue_dma source(%dma_start3A_644 : memref<512xi32, #tpu.memory_space<hbm>>) target(%arg14 : memref<512xi32, #tpu.memory_space<vmem>>) target_semaphore(%run_scoped3A : memref<!tpu.dma_semaphore, #tpu.memory_space<semaphore_mem>>)
      %dma_wait3A_645 = tpu.memref_slice %arg12[%mul3A_2] : memref<16384xi32, #tpu.memory_space<hbm>> -> memref<512xi32, #tpu.memory_space<hbm>>
      %dma_wait3A_646 = tpu.memref_slice %arg12[%mul3A_2] : memref<16384xi32, #tpu.memory_space<hbm>> -> memref<512xi32, #tpu.memory_space<hbm>>
      tpu.wait_dma2 semaphore(%run_scoped3A : memref<!tpu.dma_semaphore, #tpu.memory_space<semaphore_mem>>) src(%dma_wait3A_646 : memref<512xi32, #tpu.memory_space<hbm>>) dst(%arg14 : memref<512xi32, #tpu.memory_space<vmem>>)
      tpu.yield
    }) : () -> ()
    %dma_start3A = arith.constant 0 : i32
    %dma_start3A_3 = arith.constant 0 : i32
    %dma_start3A_4 = tpu.memref_slice %arg15[%dma_start3A, %dma_start3A_3] : memref<10x512xf32, #tpu.memory_space<vmem>> -> memref<1x128xf32, #tpu.memory_space<vmem>>
    %dma_start3A_5 = tpu.memref_squeeze %dma_start3A_4 : memref<1x128xf32, #tpu.memory_space<vmem>> -> memref<128xf32, #tpu.memory_space<vmem>>
    %dma_start3A_6 = arith.constant 0 : i32
    %dma_start3A_7 = tpu.memref_slice %arg14[%dma_start3A_6] : memref<512xi32, #tpu.memory_space<vmem>> -> memref<128xi32, #tpu.memory_space<vmem>>
    %dma_start3A_8 = arith.constant 0 : i32
    %dma_start3A_9 = tpu.memref_slice %arg2[%dma_start3A_8] : memref<1000000xf32, #tpu.memory_space<hbm>> -> memref<1000000xf32, #tpu.memory_space<hbm>>
    tpu.enqueue_indirect_dma source(%dma_start3A_9 : memref<1000000xf32, #tpu.memory_space<hbm>>) target(%dma_start3A_5 : memref<128xf32, #tpu.memory_space<vmem>>) offsets(%dma_start3A_7 : memref<128xi32, #tpu.memory_space<vmem>>) semaphore(%arg16 : memref<!tpu.dma_semaphore, #tpu.memory_space<semaphore_mem>>)
    %dma_start3A_10 = arith.constant 0 : i32
    %dma_start3A_11 = arith.constant 128 : i32
    %dma_start3A_12 = tpu.memref_slice %arg15[%dma_start3A_10, %dma_start3A_11] : memref<10x512xf32, #tpu.memory_space<vmem>> -> memref<1x128xf32, #tpu.memory_space<vmem>>
    %dma_start3A_13 = tpu.memref_squeeze %dma_start3A_12 : memref<1x128xf32, #tpu.memory_space<vmem>> -> memref<128xf32, #tpu.memory_space<vmem>>
    %dma_start3A_14 = arith.constant 128 : i32
    %dma_start3A_15 = tpu.memref_slice %arg14[%dma_start3A_14] : memref<512xi32, #tpu.memory_space<vmem>> -> memref<128xi32, #tpu.memory_space<vmem>>
    %dma_start3A_16 = arith.constant 0 : i32
    %dma_start3A_17 = tpu.memref_slice %arg2[%dma_start3A_16] : memref<1000000xf32, #tpu.memory_space<hbm>> -> memref<1000000xf32, #tpu.memory_space<hbm>>
    tpu.enqueue_indirect_dma source(%dma_start3A_17 : memref<1000000xf32, #tpu.memory_space<hbm>>) target(%dma_start3A_13 : memref<128xf32, #tpu.memory_space<vmem>>) offsets(%dma_start3A_15 : memref<128xi32, #tpu.memory_space<vmem>>) semaphore(%arg16 : memref<!tpu.dma_semaphore, #tpu.memory_space<semaphore_mem>>)
    %dma_start3A_18 = arith.constant 0 : i32
    %dma_start3A_19 = arith.constant 256 : i32
    %dma_start3A_20 = tpu.memref_slice %arg15[%dma_start3A_18, %dma_start3A_19] : memref<10x512xf32, #tpu.memory_space<vmem>> -> memref<1x128xf32, #tpu.memory_space<vmem>>
    %dma_start3A_21 = tpu.memref_squeeze %dma_start3A_20 : memref<1x128xf32, #tpu.memory_space<vmem>> -> memref<128xf32, #tpu.memory_space<vmem>>
    %dma_start3A_22 = arith.constant 256 : i32
    %dma_start3A_23 = tpu.memref_slice %arg14[%dma_start3A_22] : memref<512xi32, #tpu.memory_space<vmem>> -> memref<128xi32, #tpu.memory_space<vmem>>
    %dma_start3A_24 = arith.constant 0 : i32
    %dma_start3A_25 = tpu.memref_slice %arg2[%dma_start3A_24] : memref<1000000xf32, #tpu.memory_space<hbm>> -> memref<1000000xf32, #tpu.memory_space<hbm>>
    tpu.enqueue_indirect_dma source(%dma_start3A_25 : memref<1000000xf32, #tpu.memory_space<hbm>>) target(%dma_start3A_21 : memref<128xf32, #tpu.memory_space<vmem>>) offsets(%dma_start3A_23 : memref<128xi32, #tpu.memory_space<vmem>>) semaphore(%arg16 : memref<!tpu.dma_semaphore, #tpu.memory_space<semaphore_mem>>)
    %dma_start3A_26 = arith.constant 0 : i32
    %dma_start3A_27 = arith.constant 384 : i32
    %dma_start3A_28 = tpu.memref_slice %arg15[%dma_start3A_26, %dma_start3A_27] : memref<10x512xf32, #tpu.memory_space<vmem>> -> memref<1x128xf32, #tpu.memory_space<vmem>>
    %dma_start3A_29 = tpu.memref_squeeze %dma_start3A_28 : memref<1x128xf32, #tpu.memory_space<vmem>> -> memref<128xf32, #tpu.memory_space<vmem>>
    %dma_start3A_30 = arith.constant 384 : i32
    %dma_start3A_31 = tpu.memref_slice %arg14[%dma_start3A_30] : memref<512xi32, #tpu.memory_space<vmem>> -> memref<128xi32, #tpu.memory_space<vmem>>
    %dma_start3A_32 = arith.constant 0 : i32
    %dma_start3A_33 = tpu.memref_slice %arg2[%dma_start3A_32] : memref<1000000xf32, #tpu.memory_space<hbm>> -> memref<1000000xf32, #tpu.memory_space<hbm>>
    tpu.enqueue_indirect_dma source(%dma_start3A_33 : memref<1000000xf32, #tpu.memory_space<hbm>>) target(%dma_start3A_29 : memref<128xf32, #tpu.memory_space<vmem>>) offsets(%dma_start3A_31 : memref<128xi32, #tpu.memory_space<vmem>>) semaphore(%arg16 : memref<!tpu.dma_semaphore, #tpu.memory_space<semaphore_mem>>)
    %dma_start3A_34 = arith.constant 1 : i32
    %dma_start3A_35 = arith.constant 0 : i32
    %dma_start3A_36 = tpu.memref_slice %arg15[%dma_start3A_34, %dma_start3A_35] : memref<10x512xf32, #tpu.memory_space<vmem>> -> memref<1x128xf32, #tpu.memory_space<vmem>>
    %dma_start3A_37 = tpu.memref_squeeze %dma_start3A_36 : memref<1x128xf32, #tpu.memory_space<vmem>> -> memref<128xf32, #tpu.memory_space<vmem>>
    %dma_start3A_38 = arith.constant 0 : i32
    %dma_start3A_39 = tpu.memref_slice %arg14[%dma_start3A_38] : memref<512xi32, #tpu.memory_space<vmem>> -> memref<128xi32, #tpu.memory_space<vmem>>
    %dma_start3A_40 = arith.constant 0 : i32
    %dma_start3A_41 = tpu.memref_slice %arg3[%dma_start3A_40] : memref<1000000xf32, #tpu.memory_space<hbm>> -> memref<1000000xf32, #tpu.memory_space<hbm>>
    tpu.enqueue_indirect_dma source(%dma_start3A_41 : memref<1000000xf32, #tpu.memory_space<hbm>>) target(%dma_start3A_37 : memref<128xf32, #tpu.memory_space<vmem>>) offsets(%dma_start3A_39 : memref<128xi32, #tpu.memory_space<vmem>>) semaphore(%arg16 : memref<!tpu.dma_semaphore, #tpu.memory_space<semaphore_mem>>)
    %dma_start3A_42 = arith.constant 1 : i32
    %dma_start3A_43 = arith.constant 128 : i32
    %dma_start3A_44 = tpu.memref_slice %arg15[%dma_start3A_42, %dma_start3A_43] : memref<10x512xf32, #tpu.memory_space<vmem>> -> memref<1x128xf32, #tpu.memory_space<vmem>>
    %dma_start3A_45 = tpu.memref_squeeze %dma_start3A_44 : memref<1x128xf32, #tpu.memory_space<vmem>> -> memref<128xf32, #tpu.memory_space<vmem>>
    %dma_start3A_46 = arith.constant 128 : i32
    %dma_start3A_47 = tpu.memref_slice %arg14[%dma_start3A_46] : memref<512xi32, #tpu.memory_space<vmem>> -> memref<128xi32, #tpu.memory_space<vmem>>
    %dma_start3A_48 = arith.constant 0 : i32
    %dma_start3A_49 = tpu.memref_slice %arg3[%dma_start3A_48] : memref<1000000xf32, #tpu.memory_space<hbm>> -> memref<1000000xf32, #tpu.memory_space<hbm>>
    tpu.enqueue_indirect_dma source(%dma_start3A_49 : memref<1000000xf32, #tpu.memory_space<hbm>>) target(%dma_start3A_45 : memref<128xf32, #tpu.memory_space<vmem>>) offsets(%dma_start3A_47 : memref<128xi32, #tpu.memory_space<vmem>>) semaphore(%arg16 : memref<!tpu.dma_semaphore, #tpu.memory_space<semaphore_mem>>)
    %dma_start3A_50 = arith.constant 1 : i32
    %dma_start3A_51 = arith.constant 256 : i32
    %dma_start3A_52 = tpu.memref_slice %arg15[%dma_start3A_50, %dma_start3A_51] : memref<10x512xf32, #tpu.memory_space<vmem>> -> memref<1x128xf32, #tpu.memory_space<vmem>>
    %dma_start3A_53 = tpu.memref_squeeze %dma_start3A_52 : memref<1x128xf32, #tpu.memory_space<vmem>> -> memref<128xf32, #tpu.memory_space<vmem>>
    %dma_start3A_54 = arith.constant 256 : i32
    %dma_start3A_55 = tpu.memref_slice %arg14[%dma_start3A_54] : memref<512xi32, #tpu.memory_space<vmem>> -> memref<128xi32, #tpu.memory_space<vmem>>
    %dma_start3A_56 = arith.constant 0 : i32
    %dma_start3A_57 = tpu.memref_slice %arg3[%dma_start3A_56] : memref<1000000xf32, #tpu.memory_space<hbm>> -> memref<1000000xf32, #tpu.memory_space<hbm>>
    tpu.enqueue_indirect_dma source(%dma_start3A_57 : memref<1000000xf32, #tpu.memory_space<hbm>>) target(%dma_start3A_53 : memref<128xf32, #tpu.memory_space<vmem>>) offsets(%dma_start3A_55 : memref<128xi32, #tpu.memory_space<vmem>>) semaphore(%arg16 : memref<!tpu.dma_semaphore, #tpu.memory_space<semaphore_mem>>)
    %dma_start3A_58 = arith.constant 1 : i32
    %dma_start3A_59 = arith.constant 384 : i32
    %dma_start3A_60 = tpu.memref_slice %arg15[%dma_start3A_58, %dma_start3A_59] : memref<10x512xf32, #tpu.memory_space<vmem>> -> memref<1x128xf32, #tpu.memory_space<vmem>>
    %dma_start3A_61 = tpu.memref_squeeze %dma_start3A_60 : memref<1x128xf32, #tpu.memory_space<vmem>> -> memref<128xf32, #tpu.memory_space<vmem>>
    %dma_start3A_62 = arith.constant 384 : i32
    %dma_start3A_63 = tpu.memref_slice %arg14[%dma_start3A_62] : memref<512xi32, #tpu.memory_space<vmem>> -> memref<128xi32, #tpu.memory_space<vmem>>
    %dma_start3A_64 = arith.constant 0 : i32
    %dma_start3A_65 = tpu.memref_slice %arg3[%dma_start3A_64] : memref<1000000xf32, #tpu.memory_space<hbm>> -> memref<1000000xf32, #tpu.memory_space<hbm>>
    tpu.enqueue_indirect_dma source(%dma_start3A_65 : memref<1000000xf32, #tpu.memory_space<hbm>>) target(%dma_start3A_61 : memref<128xf32, #tpu.memory_space<vmem>>) offsets(%dma_start3A_63 : memref<128xi32, #tpu.memory_space<vmem>>) semaphore(%arg16 : memref<!tpu.dma_semaphore, #tpu.memory_space<semaphore_mem>>)
    %dma_start3A_66 = arith.constant 2 : i32
    %dma_start3A_67 = arith.constant 0 : i32
    %dma_start3A_68 = tpu.memref_slice %arg15[%dma_start3A_66, %dma_start3A_67] : memref<10x512xf32, #tpu.memory_space<vmem>> -> memref<1x128xf32, #tpu.memory_space<vmem>>
    %dma_start3A_69 = tpu.memref_squeeze %dma_start3A_68 : memref<1x128xf32, #tpu.memory_space<vmem>> -> memref<128xf32, #tpu.memory_space<vmem>>
    %dma_start3A_70 = arith.constant 0 : i32
    %dma_start3A_71 = tpu.memref_slice %arg14[%dma_start3A_70] : memref<512xi32, #tpu.memory_space<vmem>> -> memref<128xi32, #tpu.memory_space<vmem>>
    %dma_start3A_72 = arith.constant 0 : i32
    %dma_start3A_73 = tpu.memref_slice %arg4[%dma_start3A_72] : memref<1000000xf32, #tpu.memory_space<hbm>> -> memref<1000000xf32, #tpu.memory_space<hbm>>
    tpu.enqueue_indirect_dma source(%dma_start3A_73 : memref<1000000xf32, #tpu.memory_space<hbm>>) target(%dma_start3A_69 : memref<128xf32, #tpu.memory_space<vmem>>) offsets(%dma_start3A_71 : memref<128xi32, #tpu.memory_space<vmem>>) semaphore(%arg16 : memref<!tpu.dma_semaphore, #tpu.memory_space<semaphore_mem>>)
    %dma_start3A_74 = arith.constant 2 : i32
    %dma_start3A_75 = arith.constant 128 : i32
    %dma_start3A_76 = tpu.memref_slice %arg15[%dma_start3A_74, %dma_start3A_75] : memref<10x512xf32, #tpu.memory_space<vmem>> -> memref<1x128xf32, #tpu.memory_space<vmem>>
    %dma_start3A_77 = tpu.memref_squeeze %dma_start3A_76 : memref<1x128xf32, #tpu.memory_space<vmem>> -> memref<128xf32, #tpu.memory_space<vmem>>
    %dma_start3A_78 = arith.constant 128 : i32
    %dma_start3A_79 = tpu.memref_slice %arg14[%dma_start3A_78] : memref<512xi32, #tpu.memory_space<vmem>> -> memref<128xi32, #tpu.memory_space<vmem>>
    %dma_start3A_80 = arith.constant 0 : i32
    %dma_start3A_81 = tpu.memref_slice %arg4[%dma_start3A_80] : memref<1000000xf32, #tpu.memory_space<hbm>> -> memref<1000000xf32, #tpu.memory_space<hbm>>
    tpu.enqueue_indirect_dma source(%dma_start3A_81 : memref<1000000xf32, #tpu.memory_space<hbm>>) target(%dma_start3A_77 : memref<128xf32, #tpu.memory_space<vmem>>) offsets(%dma_start3A_79 : memref<128xi32, #tpu.memory_space<vmem>>) semaphore(%arg16 : memref<!tpu.dma_semaphore, #tpu.memory_space<semaphore_mem>>)
    %dma_start3A_82 = arith.constant 2 : i32
    %dma_start3A_83 = arith.constant 256 : i32
    %dma_start3A_84 = tpu.memref_slice %arg15[%dma_start3A_82, %dma_start3A_83] : memref<10x512xf32, #tpu.memory_space<vmem>> -> memref<1x128xf32, #tpu.memory_space<vmem>>
    %dma_start3A_85 = tpu.memref_squeeze %dma_start3A_84 : memref<1x128xf32, #tpu.memory_space<vmem>> -> memref<128xf32, #tpu.memory_space<vmem>>
    %dma_start3A_86 = arith.constant 256 : i32
    %dma_start3A_87 = tpu.memref_slice %arg14[%dma_start3A_86] : memref<512xi32, #tpu.memory_space<vmem>> -> memref<128xi32, #tpu.memory_space<vmem>>
    %dma_start3A_88 = arith.constant 0 : i32
    %dma_start3A_89 = tpu.memref_slice %arg4[%dma_start3A_88] : memref<1000000xf32, #tpu.memory_space<hbm>> -> memref<1000000xf32, #tpu.memory_space<hbm>>
    tpu.enqueue_indirect_dma source(%dma_start3A_89 : memref<1000000xf32, #tpu.memory_space<hbm>>) target(%dma_start3A_85 : memref<128xf32, #tpu.memory_space<vmem>>) offsets(%dma_start3A_87 : memref<128xi32, #tpu.memory_space<vmem>>) semaphore(%arg16 : memref<!tpu.dma_semaphore, #tpu.memory_space<semaphore_mem>>)
    %dma_start3A_90 = arith.constant 2 : i32
    %dma_start3A_91 = arith.constant 384 : i32
    %dma_start3A_92 = tpu.memref_slice %arg15[%dma_start3A_90, %dma_start3A_91] : memref<10x512xf32, #tpu.memory_space<vmem>> -> memref<1x128xf32, #tpu.memory_space<vmem>>
    %dma_start3A_93 = tpu.memref_squeeze %dma_start3A_92 : memref<1x128xf32, #tpu.memory_space<vmem>> -> memref<128xf32, #tpu.memory_space<vmem>>
    %dma_start3A_94 = arith.constant 384 : i32
    %dma_start3A_95 = tpu.memref_slice %arg14[%dma_start3A_94] : memref<512xi32, #tpu.memory_space<vmem>> -> memref<128xi32, #tpu.memory_space<vmem>>
    %dma_start3A_96 = arith.constant 0 : i32
    %dma_start3A_97 = tpu.memref_slice %arg4[%dma_start3A_96] : memref<1000000xf32, #tpu.memory_space<hbm>> -> memref<1000000xf32, #tpu.memory_space<hbm>>
    tpu.enqueue_indirect_dma source(%dma_start3A_97 : memref<1000000xf32, #tpu.memory_space<hbm>>) target(%dma_start3A_93 : memref<128xf32, #tpu.memory_space<vmem>>) offsets(%dma_start3A_95 : memref<128xi32, #tpu.memory_space<vmem>>) semaphore(%arg16 : memref<!tpu.dma_semaphore, #tpu.memory_space<semaphore_mem>>)
    %dma_start3A_98 = arith.constant 3 : i32
    %dma_start3A_99 = arith.constant 0 : i32
    %dma_start3A_100 = tpu.memref_slice %arg15[%dma_start3A_98, %dma_start3A_99] : memref<10x512xf32, #tpu.memory_space<vmem>> -> memref<1x128xf32, #tpu.memory_space<vmem>>
    %dma_start3A_101 = tpu.memref_squeeze %dma_start3A_100 : memref<1x128xf32, #tpu.memory_space<vmem>> -> memref<128xf32, #tpu.memory_space<vmem>>
    %dma_start3A_102 = arith.constant 0 : i32
    %dma_start3A_103 = tpu.memref_slice %arg14[%dma_start3A_102] : memref<512xi32, #tpu.memory_space<vmem>> -> memref<128xi32, #tpu.memory_space<vmem>>
    %dma_start3A_104 = arith.constant 0 : i32
    %dma_start3A_105 = tpu.memref_slice %arg5[%dma_start3A_104] : memref<1000000xf32, #tpu.memory_space<hbm>> -> memref<1000000xf32, #tpu.memory_space<hbm>>
    tpu.enqueue_indirect_dma source(%dma_start3A_105 : memref<1000000xf32, #tpu.memory_space<hbm>>) target(%dma_start3A_101 : memref<128xf32, #tpu.memory_space<vmem>>) offsets(%dma_start3A_103 : memref<128xi32, #tpu.memory_space<vmem>>) semaphore(%arg16 : memref<!tpu.dma_semaphore, #tpu.memory_space<semaphore_mem>>)
    %dma_start3A_106 = arith.constant 3 : i32
    %dma_start3A_107 = arith.constant 128 : i32
    %dma_start3A_108 = tpu.memref_slice %arg15[%dma_start3A_106, %dma_start3A_107] : memref<10x512xf32, #tpu.memory_space<vmem>> -> memref<1x128xf32, #tpu.memory_space<vmem>>
    %dma_start3A_109 = tpu.memref_squeeze %dma_start3A_108 : memref<1x128xf32, #tpu.memory_space<vmem>> -> memref<128xf32, #tpu.memory_space<vmem>>
    %dma_start3A_110 = arith.constant 128 : i32
    %dma_start3A_111 = tpu.memref_slice %arg14[%dma_start3A_110] : memref<512xi32, #tpu.memory_space<vmem>> -> memref<128xi32, #tpu.memory_space<vmem>>
    %dma_start3A_112 = arith.constant 0 : i32
    %dma_start3A_113 = tpu.memref_slice %arg5[%dma_start3A_112] : memref<1000000xf32, #tpu.memory_space<hbm>> -> memref<1000000xf32, #tpu.memory_space<hbm>>
    tpu.enqueue_indirect_dma source(%dma_start3A_113 : memref<1000000xf32, #tpu.memory_space<hbm>>) target(%dma_start3A_109 : memref<128xf32, #tpu.memory_space<vmem>>) offsets(%dma_start3A_111 : memref<128xi32, #tpu.memory_space<vmem>>) semaphore(%arg16 : memref<!tpu.dma_semaphore, #tpu.memory_space<semaphore_mem>>)
    %dma_start3A_114 = arith.constant 3 : i32
    %dma_start3A_115 = arith.constant 256 : i32
    %dma_start3A_116 = tpu.memref_slice %arg15[%dma_start3A_114, %dma_start3A_115] : memref<10x512xf32, #tpu.memory_space<vmem>> -> memref<1x128xf32, #tpu.memory_space<vmem>>
    %dma_start3A_117 = tpu.memref_squeeze %dma_start3A_116 : memref<1x128xf32, #tpu.memory_space<vmem>> -> memref<128xf32, #tpu.memory_space<vmem>>
    %dma_start3A_118 = arith.constant 256 : i32
    %dma_start3A_119 = tpu.memref_slice %arg14[%dma_start3A_118] : memref<512xi32, #tpu.memory_space<vmem>> -> memref<128xi32, #tpu.memory_space<vmem>>
    %dma_start3A_120 = arith.constant 0 : i32
    %dma_start3A_121 = tpu.memref_slice %arg5[%dma_start3A_120] : memref<1000000xf32, #tpu.memory_space<hbm>> -> memref<1000000xf32, #tpu.memory_space<hbm>>
    tpu.enqueue_indirect_dma source(%dma_start3A_121 : memref<1000000xf32, #tpu.memory_space<hbm>>) target(%dma_start3A_117 : memref<128xf32, #tpu.memory_space<vmem>>) offsets(%dma_start3A_119 : memref<128xi32, #tpu.memory_space<vmem>>) semaphore(%arg16 : memref<!tpu.dma_semaphore, #tpu.memory_space<semaphore_mem>>)
    %dma_start3A_122 = arith.constant 3 : i32
    %dma_start3A_123 = arith.constant 384 : i32
    %dma_start3A_124 = tpu.memref_slice %arg15[%dma_start3A_122, %dma_start3A_123] : memref<10x512xf32, #tpu.memory_space<vmem>> -> memref<1x128xf32, #tpu.memory_space<vmem>>
    %dma_start3A_125 = tpu.memref_squeeze %dma_start3A_124 : memref<1x128xf32, #tpu.memory_space<vmem>> -> memref<128xf32, #tpu.memory_space<vmem>>
    %dma_start3A_126 = arith.constant 384 : i32
    %dma_start3A_127 = tpu.memref_slice %arg14[%dma_start3A_126] : memref<512xi32, #tpu.memory_space<vmem>> -> memref<128xi32, #tpu.memory_space<vmem>>
    %dma_start3A_128 = arith.constant 0 : i32
    %dma_start3A_129 = tpu.memref_slice %arg5[%dma_start3A_128] : memref<1000000xf32, #tpu.memory_space<hbm>> -> memref<1000000xf32, #tpu.memory_space<hbm>>
    tpu.enqueue_indirect_dma source(%dma_start3A_129 : memref<1000000xf32, #tpu.memory_space<hbm>>) target(%dma_start3A_125 : memref<128xf32, #tpu.memory_space<vmem>>) offsets(%dma_start3A_127 : memref<128xi32, #tpu.memory_space<vmem>>) semaphore(%arg16 : memref<!tpu.dma_semaphore, #tpu.memory_space<semaphore_mem>>)
    %dma_start3A_130 = arith.constant 4 : i32
    %dma_start3A_131 = arith.constant 0 : i32
    %dma_start3A_132 = tpu.memref_slice %arg15[%dma_start3A_130, %dma_start3A_131] : memref<10x512xf32, #tpu.memory_space<vmem>> -> memref<1x128xf32, #tpu.memory_space<vmem>>
    %dma_start3A_133 = tpu.memref_squeeze %dma_start3A_132 : memref<1x128xf32, #tpu.memory_space<vmem>> -> memref<128xf32, #tpu.memory_space<vmem>>
    %dma_start3A_134 = arith.constant 0 : i32
    %dma_start3A_135 = tpu.memref_slice %arg14[%dma_start3A_134] : memref<512xi32, #tpu.memory_space<vmem>> -> memref<128xi32, #tpu.memory_space<vmem>>
    %dma_start3A_136 = arith.constant 0 : i32
    %dma_start3A_137 = tpu.memref_slice %arg6[%dma_start3A_136] : memref<1000000xf32, #tpu.memory_space<hbm>> -> memref<1000000xf32, #tpu.memory_space<hbm>>
    tpu.enqueue_indirect_dma source(%dma_start3A_137 : memref<1000000xf32, #tpu.memory_space<hbm>>) target(%dma_start3A_133 : memref<128xf32, #tpu.memory_space<vmem>>) offsets(%dma_start3A_135 : memref<128xi32, #tpu.memory_space<vmem>>) semaphore(%arg16 : memref<!tpu.dma_semaphore, #tpu.memory_space<semaphore_mem>>)
    %dma_start3A_138 = arith.constant 4 : i32
    %dma_start3A_139 = arith.constant 128 : i32
    %dma_start3A_140 = tpu.memref_slice %arg15[%dma_start3A_138, %dma_start3A_139] : memref<10x512xf32, #tpu.memory_space<vmem>> -> memref<1x128xf32, #tpu.memory_space<vmem>>
    %dma_start3A_141 = tpu.memref_squeeze %dma_start3A_140 : memref<1x128xf32, #tpu.memory_space<vmem>> -> memref<128xf32, #tpu.memory_space<vmem>>
    %dma_start3A_142 = arith.constant 128 : i32
    %dma_start3A_143 = tpu.memref_slice %arg14[%dma_start3A_142] : memref<512xi32, #tpu.memory_space<vmem>> -> memref<128xi32, #tpu.memory_space<vmem>>
    %dma_start3A_144 = arith.constant 0 : i32
    %dma_start3A_145 = tpu.memref_slice %arg6[%dma_start3A_144] : memref<1000000xf32, #tpu.memory_space<hbm>> -> memref<1000000xf32, #tpu.memory_space<hbm>>
    tpu.enqueue_indirect_dma source(%dma_start3A_145 : memref<1000000xf32, #tpu.memory_space<hbm>>) target(%dma_start3A_141 : memref<128xf32, #tpu.memory_space<vmem>>) offsets(%dma_start3A_143 : memref<128xi32, #tpu.memory_space<vmem>>) semaphore(%arg16 : memref<!tpu.dma_semaphore, #tpu.memory_space<semaphore_mem>>)
    %dma_start3A_146 = arith.constant 4 : i32
    %dma_start3A_147 = arith.constant 256 : i32
    %dma_start3A_148 = tpu.memref_slice %arg15[%dma_start3A_146, %dma_start3A_147] : memref<10x512xf32, #tpu.memory_space<vmem>> -> memref<1x128xf32, #tpu.memory_space<vmem>>
    %dma_start3A_149 = tpu.memref_squeeze %dma_start3A_148 : memref<1x128xf32, #tpu.memory_space<vmem>> -> memref<128xf32, #tpu.memory_space<vmem>>
    %dma_start3A_150 = arith.constant 256 : i32
    %dma_start3A_151 = tpu.memref_slice %arg14[%dma_start3A_150] : memref<512xi32, #tpu.memory_space<vmem>> -> memref<128xi32, #tpu.memory_space<vmem>>
    %dma_start3A_152 = arith.constant 0 : i32
    %dma_start3A_153 = tpu.memref_slice %arg6[%dma_start3A_152] : memref<1000000xf32, #tpu.memory_space<hbm>> -> memref<1000000xf32, #tpu.memory_space<hbm>>
    tpu.enqueue_indirect_dma source(%dma_start3A_153 : memref<1000000xf32, #tpu.memory_space<hbm>>) target(%dma_start3A_149 : memref<128xf32, #tpu.memory_space<vmem>>) offsets(%dma_start3A_151 : memref<128xi32, #tpu.memory_space<vmem>>) semaphore(%arg16 : memref<!tpu.dma_semaphore, #tpu.memory_space<semaphore_mem>>)
    %dma_start3A_154 = arith.constant 4 : i32
    %dma_start3A_155 = arith.constant 384 : i32
    %dma_start3A_156 = tpu.memref_slice %arg15[%dma_start3A_154, %dma_start3A_155] : memref<10x512xf32, #tpu.memory_space<vmem>> -> memref<1x128xf32, #tpu.memory_space<vmem>>
    %dma_start3A_157 = tpu.memref_squeeze %dma_start3A_156 : memref<1x128xf32, #tpu.memory_space<vmem>> -> memref<128xf32, #tpu.memory_space<vmem>>
    %dma_start3A_158 = arith.constant 384 : i32
    %dma_start3A_159 = tpu.memref_slice %arg14[%dma_start3A_158] : memref<512xi32, #tpu.memory_space<vmem>> -> memref<128xi32, #tpu.memory_space<vmem>>
    %dma_start3A_160 = arith.constant 0 : i32
    %dma_start3A_161 = tpu.memref_slice %arg6[%dma_start3A_160] : memref<1000000xf32, #tpu.memory_space<hbm>> -> memref<1000000xf32, #tpu.memory_space<hbm>>
    tpu.enqueue_indirect_dma source(%dma_start3A_161 : memref<1000000xf32, #tpu.memory_space<hbm>>) target(%dma_start3A_157 : memref<128xf32, #tpu.memory_space<vmem>>) offsets(%dma_start3A_159 : memref<128xi32, #tpu.memory_space<vmem>>) semaphore(%arg16 : memref<!tpu.dma_semaphore, #tpu.memory_space<semaphore_mem>>)
    %dma_start3A_162 = arith.constant 5 : i32
    %dma_start3A_163 = arith.constant 0 : i32
    %dma_start3A_164 = tpu.memref_slice %arg15[%dma_start3A_162, %dma_start3A_163] : memref<10x512xf32, #tpu.memory_space<vmem>> -> memref<1x128xf32, #tpu.memory_space<vmem>>
    %dma_start3A_165 = tpu.memref_squeeze %dma_start3A_164 : memref<1x128xf32, #tpu.memory_space<vmem>> -> memref<128xf32, #tpu.memory_space<vmem>>
    %dma_start3A_166 = arith.constant 0 : i32
    %dma_start3A_167 = tpu.memref_slice %arg14[%dma_start3A_166] : memref<512xi32, #tpu.memory_space<vmem>> -> memref<128xi32, #tpu.memory_space<vmem>>
    %dma_start3A_168 = arith.constant 0 : i32
    %dma_start3A_169 = tpu.memref_slice %arg7[%dma_start3A_168] : memref<1000000xf32, #tpu.memory_space<hbm>> -> memref<1000000xf32, #tpu.memory_space<hbm>>
    tpu.enqueue_indirect_dma source(%dma_start3A_169 : memref<1000000xf32, #tpu.memory_space<hbm>>) target(%dma_start3A_165 : memref<128xf32, #tpu.memory_space<vmem>>) offsets(%dma_start3A_167 : memref<128xi32, #tpu.memory_space<vmem>>) semaphore(%arg16 : memref<!tpu.dma_semaphore, #tpu.memory_space<semaphore_mem>>)
    %dma_start3A_170 = arith.constant 5 : i32
    %dma_start3A_171 = arith.constant 128 : i32
    %dma_start3A_172 = tpu.memref_slice %arg15[%dma_start3A_170, %dma_start3A_171] : memref<10x512xf32, #tpu.memory_space<vmem>> -> memref<1x128xf32, #tpu.memory_space<vmem>>
    %dma_start3A_173 = tpu.memref_squeeze %dma_start3A_172 : memref<1x128xf32, #tpu.memory_space<vmem>> -> memref<128xf32, #tpu.memory_space<vmem>>
    %dma_start3A_174 = arith.constant 128 : i32
    %dma_start3A_175 = tpu.memref_slice %arg14[%dma_start3A_174] : memref<512xi32, #tpu.memory_space<vmem>> -> memref<128xi32, #tpu.memory_space<vmem>>
    %dma_start3A_176 = arith.constant 0 : i32
    %dma_start3A_177 = tpu.memref_slice %arg7[%dma_start3A_176] : memref<1000000xf32, #tpu.memory_space<hbm>> -> memref<1000000xf32, #tpu.memory_space<hbm>>
    tpu.enqueue_indirect_dma source(%dma_start3A_177 : memref<1000000xf32, #tpu.memory_space<hbm>>) target(%dma_start3A_173 : memref<128xf32, #tpu.memory_space<vmem>>) offsets(%dma_start3A_175 : memref<128xi32, #tpu.memory_space<vmem>>) semaphore(%arg16 : memref<!tpu.dma_semaphore, #tpu.memory_space<semaphore_mem>>)
    %dma_start3A_178 = arith.constant 5 : i32
    %dma_start3A_179 = arith.constant 256 : i32
    %dma_start3A_180 = tpu.memref_slice %arg15[%dma_start3A_178, %dma_start3A_179] : memref<10x512xf32, #tpu.memory_space<vmem>> -> memref<1x128xf32, #tpu.memory_space<vmem>>
    %dma_start3A_181 = tpu.memref_squeeze %dma_start3A_180 : memref<1x128xf32, #tpu.memory_space<vmem>> -> memref<128xf32, #tpu.memory_space<vmem>>
    %dma_start3A_182 = arith.constant 256 : i32
    %dma_start3A_183 = tpu.memref_slice %arg14[%dma_start3A_182] : memref<512xi32, #tpu.memory_space<vmem>> -> memref<128xi32, #tpu.memory_space<vmem>>
    %dma_start3A_184 = arith.constant 0 : i32
    %dma_start3A_185 = tpu.memref_slice %arg7[%dma_start3A_184] : memref<1000000xf32, #tpu.memory_space<hbm>> -> memref<1000000xf32, #tpu.memory_space<hbm>>
    tpu.enqueue_indirect_dma source(%dma_start3A_185 : memref<1000000xf32, #tpu.memory_space<hbm>>) target(%dma_start3A_181 : memref<128xf32, #tpu.memory_space<vmem>>) offsets(%dma_start3A_183 : memref<128xi32, #tpu.memory_space<vmem>>) semaphore(%arg16 : memref<!tpu.dma_semaphore, #tpu.memory_space<semaphore_mem>>)
    %dma_start3A_186 = arith.constant 5 : i32
    %dma_start3A_187 = arith.constant 384 : i32
    %dma_start3A_188 = tpu.memref_slice %arg15[%dma_start3A_186, %dma_start3A_187] : memref<10x512xf32, #tpu.memory_space<vmem>> -> memref<1x128xf32, #tpu.memory_space<vmem>>
    %dma_start3A_189 = tpu.memref_squeeze %dma_start3A_188 : memref<1x128xf32, #tpu.memory_space<vmem>> -> memref<128xf32, #tpu.memory_space<vmem>>
    %dma_start3A_190 = arith.constant 384 : i32
    %dma_start3A_191 = tpu.memref_slice %arg14[%dma_start3A_190] : memref<512xi32, #tpu.memory_space<vmem>> -> memref<128xi32, #tpu.memory_space<vmem>>
    %dma_start3A_192 = arith.constant 0 : i32
    %dma_start3A_193 = tpu.memref_slice %arg7[%dma_start3A_192] : memref<1000000xf32, #tpu.memory_space<hbm>> -> memref<1000000xf32, #tpu.memory_space<hbm>>
    tpu.enqueue_indirect_dma source(%dma_start3A_193 : memref<1000000xf32, #tpu.memory_space<hbm>>) target(%dma_start3A_189 : memref<128xf32, #tpu.memory_space<vmem>>) offsets(%dma_start3A_191 : memref<128xi32, #tpu.memory_space<vmem>>) semaphore(%arg16 : memref<!tpu.dma_semaphore, #tpu.memory_space<semaphore_mem>>)
    %dma_start3A_194 = arith.constant 6 : i32
    %dma_start3A_195 = arith.constant 0 : i32
    %dma_start3A_196 = tpu.memref_slice %arg15[%dma_start3A_194, %dma_start3A_195] : memref<10x512xf32, #tpu.memory_space<vmem>> -> memref<1x128xf32, #tpu.memory_space<vmem>>
    %dma_start3A_197 = tpu.memref_squeeze %dma_start3A_196 : memref<1x128xf32, #tpu.memory_space<vmem>> -> memref<128xf32, #tpu.memory_space<vmem>>
    %dma_start3A_198 = arith.constant 0 : i32
    %dma_start3A_199 = tpu.memref_slice %arg14[%dma_start3A_198] : memref<512xi32, #tpu.memory_space<vmem>> -> memref<128xi32, #tpu.memory_space<vmem>>
    %dma_start3A_200 = arith.constant 0 : i32
    %dma_start3A_201 = tpu.memref_slice %arg8[%dma_start3A_200] : memref<1000000xf32, #tpu.memory_space<hbm>> -> memref<1000000xf32, #tpu.memory_space<hbm>>
    tpu.enqueue_indirect_dma source(%dma_start3A_201 : memref<1000000xf32, #tpu.memory_space<hbm>>) target(%dma_start3A_197 : memref<128xf32, #tpu.memory_space<vmem>>) offsets(%dma_start3A_199 : memref<128xi32, #tpu.memory_space<vmem>>) semaphore(%arg16 : memref<!tpu.dma_semaphore, #tpu.memory_space<semaphore_mem>>)
    %dma_start3A_202 = arith.constant 6 : i32
    %dma_start3A_203 = arith.constant 128 : i32
    %dma_start3A_204 = tpu.memref_slice %arg15[%dma_start3A_202, %dma_start3A_203] : memref<10x512xf32, #tpu.memory_space<vmem>> -> memref<1x128xf32, #tpu.memory_space<vmem>>
    %dma_start3A_205 = tpu.memref_squeeze %dma_start3A_204 : memref<1x128xf32, #tpu.memory_space<vmem>> -> memref<128xf32, #tpu.memory_space<vmem>>
    %dma_start3A_206 = arith.constant 128 : i32
    %dma_start3A_207 = tpu.memref_slice %arg14[%dma_start3A_206] : memref<512xi32, #tpu.memory_space<vmem>> -> memref<128xi32, #tpu.memory_space<vmem>>
    %dma_start3A_208 = arith.constant 0 : i32
    %dma_start3A_209 = tpu.memref_slice %arg8[%dma_start3A_208] : memref<1000000xf32, #tpu.memory_space<hbm>> -> memref<1000000xf32, #tpu.memory_space<hbm>>
    tpu.enqueue_indirect_dma source(%dma_start3A_209 : memref<1000000xf32, #tpu.memory_space<hbm>>) target(%dma_start3A_205 : memref<128xf32, #tpu.memory_space<vmem>>) offsets(%dma_start3A_207 : memref<128xi32, #tpu.memory_space<vmem>>) semaphore(%arg16 : memref<!tpu.dma_semaphore, #tpu.memory_space<semaphore_mem>>)
    %dma_start3A_210 = arith.constant 6 : i32
    %dma_start3A_211 = arith.constant 256 : i32
    %dma_start3A_212 = tpu.memref_slice %arg15[%dma_start3A_210, %dma_start3A_211] : memref<10x512xf32, #tpu.memory_space<vmem>> -> memref<1x128xf32, #tpu.memory_space<vmem>>
    %dma_start3A_213 = tpu.memref_squeeze %dma_start3A_212 : memref<1x128xf32, #tpu.memory_space<vmem>> -> memref<128xf32, #tpu.memory_space<vmem>>
    %dma_start3A_214 = arith.constant 256 : i32
    %dma_start3A_215 = tpu.memref_slice %arg14[%dma_start3A_214] : memref<512xi32, #tpu.memory_space<vmem>> -> memref<128xi32, #tpu.memory_space<vmem>>
    %dma_start3A_216 = arith.constant 0 : i32
    %dma_start3A_217 = tpu.memref_slice %arg8[%dma_start3A_216] : memref<1000000xf32, #tpu.memory_space<hbm>> -> memref<1000000xf32, #tpu.memory_space<hbm>>
    tpu.enqueue_indirect_dma source(%dma_start3A_217 : memref<1000000xf32, #tpu.memory_space<hbm>>) target(%dma_start3A_213 : memref<128xf32, #tpu.memory_space<vmem>>) offsets(%dma_start3A_215 : memref<128xi32, #tpu.memory_space<vmem>>) semaphore(%arg16 : memref<!tpu.dma_semaphore, #tpu.memory_space<semaphore_mem>>)
    %dma_start3A_218 = arith.constant 6 : i32
    %dma_start3A_219 = arith.constant 384 : i32
    %dma_start3A_220 = tpu.memref_slice %arg15[%dma_start3A_218, %dma_start3A_219] : memref<10x512xf32, #tpu.memory_space<vmem>> -> memref<1x128xf32, #tpu.memory_space<vmem>>
    %dma_start3A_221 = tpu.memref_squeeze %dma_start3A_220 : memref<1x128xf32, #tpu.memory_space<vmem>> -> memref<128xf32, #tpu.memory_space<vmem>>
    %dma_start3A_222 = arith.constant 384 : i32
    %dma_start3A_223 = tpu.memref_slice %arg14[%dma_start3A_222] : memref<512xi32, #tpu.memory_space<vmem>> -> memref<128xi32, #tpu.memory_space<vmem>>
    %dma_start3A_224 = arith.constant 0 : i32
    %dma_start3A_225 = tpu.memref_slice %arg8[%dma_start3A_224] : memref<1000000xf32, #tpu.memory_space<hbm>> -> memref<1000000xf32, #tpu.memory_space<hbm>>
    tpu.enqueue_indirect_dma source(%dma_start3A_225 : memref<1000000xf32, #tpu.memory_space<hbm>>) target(%dma_start3A_221 : memref<128xf32, #tpu.memory_space<vmem>>) offsets(%dma_start3A_223 : memref<128xi32, #tpu.memory_space<vmem>>) semaphore(%arg16 : memref<!tpu.dma_semaphore, #tpu.memory_space<semaphore_mem>>)
    %dma_start3A_226 = arith.constant 7 : i32
    %dma_start3A_227 = arith.constant 0 : i32
    %dma_start3A_228 = tpu.memref_slice %arg15[%dma_start3A_226, %dma_start3A_227] : memref<10x512xf32, #tpu.memory_space<vmem>> -> memref<1x128xf32, #tpu.memory_space<vmem>>
    %dma_start3A_229 = tpu.memref_squeeze %dma_start3A_228 : memref<1x128xf32, #tpu.memory_space<vmem>> -> memref<128xf32, #tpu.memory_space<vmem>>
    %dma_start3A_230 = arith.constant 0 : i32
    %dma_start3A_231 = tpu.memref_slice %arg14[%dma_start3A_230] : memref<512xi32, #tpu.memory_space<vmem>> -> memref<128xi32, #tpu.memory_space<vmem>>
    %dma_start3A_232 = arith.constant 0 : i32
    %dma_start3A_233 = tpu.memref_slice %arg9[%dma_start3A_232] : memref<1000000xf32, #tpu.memory_space<hbm>> -> memref<1000000xf32, #tpu.memory_space<hbm>>
    tpu.enqueue_indirect_dma source(%dma_start3A_233 : memref<1000000xf32, #tpu.memory_space<hbm>>) target(%dma_start3A_229 : memref<128xf32, #tpu.memory_space<vmem>>) offsets(%dma_start3A_231 : memref<128xi32, #tpu.memory_space<vmem>>) semaphore(%arg16 : memref<!tpu.dma_semaphore, #tpu.memory_space<semaphore_mem>>)
    %dma_start3A_234 = arith.constant 7 : i32
    %dma_start3A_235 = arith.constant 128 : i32
    %dma_start3A_236 = tpu.memref_slice %arg15[%dma_start3A_234, %dma_start3A_235] : memref<10x512xf32, #tpu.memory_space<vmem>> -> memref<1x128xf32, #tpu.memory_space<vmem>>
    %dma_start3A_237 = tpu.memref_squeeze %dma_start3A_236 : memref<1x128xf32, #tpu.memory_space<vmem>> -> memref<128xf32, #tpu.memory_space<vmem>>
    %dma_start3A_238 = arith.constant 128 : i32
    %dma_start3A_239 = tpu.memref_slice %arg14[%dma_start3A_238] : memref<512xi32, #tpu.memory_space<vmem>> -> memref<128xi32, #tpu.memory_space<vmem>>
    %dma_start3A_240 = arith.constant 0 : i32
    %dma_start3A_241 = tpu.memref_slice %arg9[%dma_start3A_240] : memref<1000000xf32, #tpu.memory_space<hbm>> -> memref<1000000xf32, #tpu.memory_space<hbm>>
    tpu.enqueue_indirect_dma source(%dma_start3A_241 : memref<1000000xf32, #tpu.memory_space<hbm>>) target(%dma_start3A_237 : memref<128xf32, #tpu.memory_space<vmem>>) offsets(%dma_start3A_239 : memref<128xi32, #tpu.memory_space<vmem>>) semaphore(%arg16 : memref<!tpu.dma_semaphore, #tpu.memory_space<semaphore_mem>>)
    %dma_start3A_242 = arith.constant 7 : i32
    %dma_start3A_243 = arith.constant 256 : i32
    %dma_start3A_244 = tpu.memref_slice %arg15[%dma_start3A_242, %dma_start3A_243] : memref<10x512xf32, #tpu.memory_space<vmem>> -> memref<1x128xf32, #tpu.memory_space<vmem>>
    %dma_start3A_245 = tpu.memref_squeeze %dma_start3A_244 : memref<1x128xf32, #tpu.memory_space<vmem>> -> memref<128xf32, #tpu.memory_space<vmem>>
    %dma_start3A_246 = arith.constant 256 : i32
    %dma_start3A_247 = tpu.memref_slice %arg14[%dma_start3A_246] : memref<512xi32, #tpu.memory_space<vmem>> -> memref<128xi32, #tpu.memory_space<vmem>>
    %dma_start3A_248 = arith.constant 0 : i32
    %dma_start3A_249 = tpu.memref_slice %arg9[%dma_start3A_248] : memref<1000000xf32, #tpu.memory_space<hbm>> -> memref<1000000xf32, #tpu.memory_space<hbm>>
    tpu.enqueue_indirect_dma source(%dma_start3A_249 : memref<1000000xf32, #tpu.memory_space<hbm>>) target(%dma_start3A_245 : memref<128xf32, #tpu.memory_space<vmem>>) offsets(%dma_start3A_247 : memref<128xi32, #tpu.memory_space<vmem>>) semaphore(%arg16 : memref<!tpu.dma_semaphore, #tpu.memory_space<semaphore_mem>>)
    %dma_start3A_250 = arith.constant 7 : i32
    %dma_start3A_251 = arith.constant 384 : i32
    %dma_start3A_252 = tpu.memref_slice %arg15[%dma_start3A_250, %dma_start3A_251] : memref<10x512xf32, #tpu.memory_space<vmem>> -> memref<1x128xf32, #tpu.memory_space<vmem>>
    %dma_start3A_253 = tpu.memref_squeeze %dma_start3A_252 : memref<1x128xf32, #tpu.memory_space<vmem>> -> memref<128xf32, #tpu.memory_space<vmem>>
    %dma_start3A_254 = arith.constant 384 : i32
    %dma_start3A_255 = tpu.memref_slice %arg14[%dma_start3A_254] : memref<512xi32, #tpu.memory_space<vmem>> -> memref<128xi32, #tpu.memory_space<vmem>>
    %dma_start3A_256 = arith.constant 0 : i32
    %dma_start3A_257 = tpu.memref_slice %arg9[%dma_start3A_256] : memref<1000000xf32, #tpu.memory_space<hbm>> -> memref<1000000xf32, #tpu.memory_space<hbm>>
    tpu.enqueue_indirect_dma source(%dma_start3A_257 : memref<1000000xf32, #tpu.memory_space<hbm>>) target(%dma_start3A_253 : memref<128xf32, #tpu.memory_space<vmem>>) offsets(%dma_start3A_255 : memref<128xi32, #tpu.memory_space<vmem>>) semaphore(%arg16 : memref<!tpu.dma_semaphore, #tpu.memory_space<semaphore_mem>>)
    %dma_start3A_258 = arith.constant 8 : i32
    %dma_start3A_259 = arith.constant 0 : i32
    %dma_start3A_260 = tpu.memref_slice %arg15[%dma_start3A_258, %dma_start3A_259] : memref<10x512xf32, #tpu.memory_space<vmem>> -> memref<1x128xf32, #tpu.memory_space<vmem>>
    %dma_start3A_261 = tpu.memref_squeeze %dma_start3A_260 : memref<1x128xf32, #tpu.memory_space<vmem>> -> memref<128xf32, #tpu.memory_space<vmem>>
    %dma_start3A_262 = arith.constant 0 : i32
    %dma_start3A_263 = tpu.memref_slice %arg14[%dma_start3A_262] : memref<512xi32, #tpu.memory_space<vmem>> -> memref<128xi32, #tpu.memory_space<vmem>>
    %dma_start3A_264 = arith.constant 0 : i32
    %dma_start3A_265 = tpu.memref_slice %arg10[%dma_start3A_264] : memref<1000000xf32, #tpu.memory_space<hbm>> -> memref<1000000xf32, #tpu.memory_space<hbm>>
    tpu.enqueue_indirect_dma source(%dma_start3A_265 : memref<1000000xf32, #tpu.memory_space<hbm>>) target(%dma_start3A_261 : memref<128xf32, #tpu.memory_space<vmem>>) offsets(%dma_start3A_263 : memref<128xi32, #tpu.memory_space<vmem>>) semaphore(%arg16 : memref<!tpu.dma_semaphore, #tpu.memory_space<semaphore_mem>>)
    %dma_start3A_266 = arith.constant 8 : i32
    %dma_start3A_267 = arith.constant 128 : i32
    %dma_start3A_268 = tpu.memref_slice %arg15[%dma_start3A_266, %dma_start3A_267] : memref<10x512xf32, #tpu.memory_space<vmem>> -> memref<1x128xf32, #tpu.memory_space<vmem>>
    %dma_start3A_269 = tpu.memref_squeeze %dma_start3A_268 : memref<1x128xf32, #tpu.memory_space<vmem>> -> memref<128xf32, #tpu.memory_space<vmem>>
    %dma_start3A_270 = arith.constant 128 : i32
    %dma_start3A_271 = tpu.memref_slice %arg14[%dma_start3A_270] : memref<512xi32, #tpu.memory_space<vmem>> -> memref<128xi32, #tpu.memory_space<vmem>>
    %dma_start3A_272 = arith.constant 0 : i32
    %dma_start3A_273 = tpu.memref_slice %arg10[%dma_start3A_272] : memref<1000000xf32, #tpu.memory_space<hbm>> -> memref<1000000xf32, #tpu.memory_space<hbm>>
    tpu.enqueue_indirect_dma source(%dma_start3A_273 : memref<1000000xf32, #tpu.memory_space<hbm>>) target(%dma_start3A_269 : memref<128xf32, #tpu.memory_space<vmem>>) offsets(%dma_start3A_271 : memref<128xi32, #tpu.memory_space<vmem>>) semaphore(%arg16 : memref<!tpu.dma_semaphore, #tpu.memory_space<semaphore_mem>>)
    %dma_start3A_274 = arith.constant 8 : i32
    %dma_start3A_275 = arith.constant 256 : i32
    %dma_start3A_276 = tpu.memref_slice %arg15[%dma_start3A_274, %dma_start3A_275] : memref<10x512xf32, #tpu.memory_space<vmem>> -> memref<1x128xf32, #tpu.memory_space<vmem>>
    %dma_start3A_277 = tpu.memref_squeeze %dma_start3A_276 : memref<1x128xf32, #tpu.memory_space<vmem>> -> memref<128xf32, #tpu.memory_space<vmem>>
    %dma_start3A_278 = arith.constant 256 : i32
    %dma_start3A_279 = tpu.memref_slice %arg14[%dma_start3A_278] : memref<512xi32, #tpu.memory_space<vmem>> -> memref<128xi32, #tpu.memory_space<vmem>>
    %dma_start3A_280 = arith.constant 0 : i32
    %dma_start3A_281 = tpu.memref_slice %arg10[%dma_start3A_280] : memref<1000000xf32, #tpu.memory_space<hbm>> -> memref<1000000xf32, #tpu.memory_space<hbm>>
    tpu.enqueue_indirect_dma source(%dma_start3A_281 : memref<1000000xf32, #tpu.memory_space<hbm>>) target(%dma_start3A_277 : memref<128xf32, #tpu.memory_space<vmem>>) offsets(%dma_start3A_279 : memref<128xi32, #tpu.memory_space<vmem>>) semaphore(%arg16 : memref<!tpu.dma_semaphore, #tpu.memory_space<semaphore_mem>>)
    %dma_start3A_282 = arith.constant 8 : i32
    %dma_start3A_283 = arith.constant 384 : i32
    %dma_start3A_284 = tpu.memref_slice %arg15[%dma_start3A_282, %dma_start3A_283] : memref<10x512xf32, #tpu.memory_space<vmem>> -> memref<1x128xf32, #tpu.memory_space<vmem>>
    %dma_start3A_285 = tpu.memref_squeeze %dma_start3A_284 : memref<1x128xf32, #tpu.memory_space<vmem>> -> memref<128xf32, #tpu.memory_space<vmem>>
    %dma_start3A_286 = arith.constant 384 : i32
    %dma_start3A_287 = tpu.memref_slice %arg14[%dma_start3A_286] : memref<512xi32, #tpu.memory_space<vmem>> -> memref<128xi32, #tpu.memory_space<vmem>>
    %dma_start3A_288 = arith.constant 0 : i32
    %dma_start3A_289 = tpu.memref_slice %arg10[%dma_start3A_288] : memref<1000000xf32, #tpu.memory_space<hbm>> -> memref<1000000xf32, #tpu.memory_space<hbm>>
    tpu.enqueue_indirect_dma source(%dma_start3A_289 : memref<1000000xf32, #tpu.memory_space<hbm>>) target(%dma_start3A_285 : memref<128xf32, #tpu.memory_space<vmem>>) offsets(%dma_start3A_287 : memref<128xi32, #tpu.memory_space<vmem>>) semaphore(%arg16 : memref<!tpu.dma_semaphore, #tpu.memory_space<semaphore_mem>>)
    %dma_start3A_290 = arith.constant 9 : i32
    %dma_start3A_291 = arith.constant 0 : i32
    %dma_start3A_292 = tpu.memref_slice %arg15[%dma_start3A_290, %dma_start3A_291] : memref<10x512xf32, #tpu.memory_space<vmem>> -> memref<1x128xf32, #tpu.memory_space<vmem>>
    %dma_start3A_293 = tpu.memref_squeeze %dma_start3A_292 : memref<1x128xf32, #tpu.memory_space<vmem>> -> memref<128xf32, #tpu.memory_space<vmem>>
    %dma_start3A_294 = arith.constant 0 : i32
    %dma_start3A_295 = tpu.memref_slice %arg14[%dma_start3A_294] : memref<512xi32, #tpu.memory_space<vmem>> -> memref<128xi32, #tpu.memory_space<vmem>>
    %dma_start3A_296 = arith.constant 0 : i32
    %dma_start3A_297 = tpu.memref_slice %arg11[%dma_start3A_296] : memref<1000000xf32, #tpu.memory_space<hbm>> -> memref<1000000xf32, #tpu.memory_space<hbm>>
    tpu.enqueue_indirect_dma source(%dma_start3A_297 : memref<1000000xf32, #tpu.memory_space<hbm>>) target(%dma_start3A_293 : memref<128xf32, #tpu.memory_space<vmem>>) offsets(%dma_start3A_295 : memref<128xi32, #tpu.memory_space<vmem>>) semaphore(%arg16 : memref<!tpu.dma_semaphore, #tpu.memory_space<semaphore_mem>>)
    %dma_start3A_298 = arith.constant 9 : i32
    %dma_start3A_299 = arith.constant 128 : i32
    %dma_start3A_300 = tpu.memref_slice %arg15[%dma_start3A_298, %dma_start3A_299] : memref<10x512xf32, #tpu.memory_space<vmem>> -> memref<1x128xf32, #tpu.memory_space<vmem>>
    %dma_start3A_301 = tpu.memref_squeeze %dma_start3A_300 : memref<1x128xf32, #tpu.memory_space<vmem>> -> memref<128xf32, #tpu.memory_space<vmem>>
    %dma_start3A_302 = arith.constant 128 : i32
    %dma_start3A_303 = tpu.memref_slice %arg14[%dma_start3A_302] : memref<512xi32, #tpu.memory_space<vmem>> -> memref<128xi32, #tpu.memory_space<vmem>>
    %dma_start3A_304 = arith.constant 0 : i32
    %dma_start3A_305 = tpu.memref_slice %arg11[%dma_start3A_304] : memref<1000000xf32, #tpu.memory_space<hbm>> -> memref<1000000xf32, #tpu.memory_space<hbm>>
    tpu.enqueue_indirect_dma source(%dma_start3A_305 : memref<1000000xf32, #tpu.memory_space<hbm>>) target(%dma_start3A_301 : memref<128xf32, #tpu.memory_space<vmem>>) offsets(%dma_start3A_303 : memref<128xi32, #tpu.memory_space<vmem>>) semaphore(%arg16 : memref<!tpu.dma_semaphore, #tpu.memory_space<semaphore_mem>>)
    %dma_start3A_306 = arith.constant 9 : i32
    %dma_start3A_307 = arith.constant 256 : i32
    %dma_start3A_308 = tpu.memref_slice %arg15[%dma_start3A_306, %dma_start3A_307] : memref<10x512xf32, #tpu.memory_space<vmem>> -> memref<1x128xf32, #tpu.memory_space<vmem>>
    %dma_start3A_309 = tpu.memref_squeeze %dma_start3A_308 : memref<1x128xf32, #tpu.memory_space<vmem>> -> memref<128xf32, #tpu.memory_space<vmem>>
    %dma_start3A_310 = arith.constant 256 : i32
    %dma_start3A_311 = tpu.memref_slice %arg14[%dma_start3A_310] : memref<512xi32, #tpu.memory_space<vmem>> -> memref<128xi32, #tpu.memory_space<vmem>>
    %dma_start3A_312 = arith.constant 0 : i32
    %dma_start3A_313 = tpu.memref_slice %arg11[%dma_start3A_312] : memref<1000000xf32, #tpu.memory_space<hbm>> -> memref<1000000xf32, #tpu.memory_space<hbm>>
    tpu.enqueue_indirect_dma source(%dma_start3A_313 : memref<1000000xf32, #tpu.memory_space<hbm>>) target(%dma_start3A_309 : memref<128xf32, #tpu.memory_space<vmem>>) offsets(%dma_start3A_311 : memref<128xi32, #tpu.memory_space<vmem>>) semaphore(%arg16 : memref<!tpu.dma_semaphore, #tpu.memory_space<semaphore_mem>>)
    %dma_start3A_314 = arith.constant 9 : i32
    %dma_start3A_315 = arith.constant 384 : i32
    %dma_start3A_316 = tpu.memref_slice %arg15[%dma_start3A_314, %dma_start3A_315] : memref<10x512xf32, #tpu.memory_space<vmem>> -> memref<1x128xf32, #tpu.memory_space<vmem>>
    %dma_start3A_317 = tpu.memref_squeeze %dma_start3A_316 : memref<1x128xf32, #tpu.memory_space<vmem>> -> memref<128xf32, #tpu.memory_space<vmem>>
    %dma_start3A_318 = arith.constant 384 : i32
    %dma_start3A_319 = tpu.memref_slice %arg14[%dma_start3A_318] : memref<512xi32, #tpu.memory_space<vmem>> -> memref<128xi32, #tpu.memory_space<vmem>>
    %dma_start3A_320 = arith.constant 0 : i32
    %dma_start3A_321 = tpu.memref_slice %arg11[%dma_start3A_320] : memref<1000000xf32, #tpu.memory_space<hbm>> -> memref<1000000xf32, #tpu.memory_space<hbm>>
    tpu.enqueue_indirect_dma source(%dma_start3A_321 : memref<1000000xf32, #tpu.memory_space<hbm>>) target(%dma_start3A_317 : memref<128xf32, #tpu.memory_space<vmem>>) offsets(%dma_start3A_319 : memref<128xi32, #tpu.memory_space<vmem>>) semaphore(%arg16 : memref<!tpu.dma_semaphore, #tpu.memory_space<semaphore_mem>>)
    %dma_wait3A = arith.constant 0 : i32
    %dma_wait3A_322 = arith.constant 0 : i32
    %dma_wait3A_323 = tpu.memref_slice %arg15[%dma_wait3A, %dma_wait3A_322] : memref<10x512xf32, #tpu.memory_space<vmem>> -> memref<1x128xf32, #tpu.memory_space<vmem>>
    %dma_wait3A_324 = tpu.memref_squeeze %dma_wait3A_323 : memref<1x128xf32, #tpu.memory_space<vmem>> -> memref<128xf32, #tpu.memory_space<vmem>>
    %dma_wait3A_325 = arith.constant 0 : i32
    %dma_wait3A_326 = tpu.memref_slice %arg14[%dma_wait3A_325] : memref<512xi32, #tpu.memory_space<vmem>> -> memref<128xi32, #tpu.memory_space<vmem>>
    %dma_wait3A_327 = arith.constant 0 : i32
    %dma_wait3A_328 = tpu.memref_slice %arg2[%dma_wait3A_327] : memref<1000000xf32, #tpu.memory_space<hbm>> -> memref<1000000xf32, #tpu.memory_space<hbm>>
    tpu.wait_indirect_dma semaphore(%arg16 : memref<!tpu.dma_semaphore, #tpu.memory_space<semaphore_mem>>) src(%dma_wait3A_328 : memref<1000000xf32, #tpu.memory_space<hbm>>) dst(%dma_wait3A_324 : memref<128xf32, #tpu.memory_space<vmem>>)
    %dma_wait3A_329 = arith.constant 0 : i32
    %dma_wait3A_330 = arith.constant 128 : i32
    %dma_wait3A_331 = tpu.memref_slice %arg15[%dma_wait3A_329, %dma_wait3A_330] : memref<10x512xf32, #tpu.memory_space<vmem>> -> memref<1x128xf32, #tpu.memory_space<vmem>>
    %dma_wait3A_332 = tpu.memref_squeeze %dma_wait3A_331 : memref<1x128xf32, #tpu.memory_space<vmem>> -> memref<128xf32, #tpu.memory_space<vmem>>
    %dma_wait3A_333 = arith.constant 128 : i32
    %dma_wait3A_334 = tpu.memref_slice %arg14[%dma_wait3A_333] : memref<512xi32, #tpu.memory_space<vmem>> -> memref<128xi32, #tpu.memory_space<vmem>>
    %dma_wait3A_335 = arith.constant 0 : i32
    %dma_wait3A_336 = tpu.memref_slice %arg2[%dma_wait3A_335] : memref<1000000xf32, #tpu.memory_space<hbm>> -> memref<1000000xf32, #tpu.memory_space<hbm>>
    tpu.wait_indirect_dma semaphore(%arg16 : memref<!tpu.dma_semaphore, #tpu.memory_space<semaphore_mem>>) src(%dma_wait3A_336 : memref<1000000xf32, #tpu.memory_space<hbm>>) dst(%dma_wait3A_332 : memref<128xf32, #tpu.memory_space<vmem>>)
    %dma_wait3A_337 = arith.constant 0 : i32
    %dma_wait3A_338 = arith.constant 256 : i32
    %dma_wait3A_339 = tpu.memref_slice %arg15[%dma_wait3A_337, %dma_wait3A_338] : memref<10x512xf32, #tpu.memory_space<vmem>> -> memref<1x128xf32, #tpu.memory_space<vmem>>
    %dma_wait3A_340 = tpu.memref_squeeze %dma_wait3A_339 : memref<1x128xf32, #tpu.memory_space<vmem>> -> memref<128xf32, #tpu.memory_space<vmem>>
    %dma_wait3A_341 = arith.constant 256 : i32
    %dma_wait3A_342 = tpu.memref_slice %arg14[%dma_wait3A_341] : memref<512xi32, #tpu.memory_space<vmem>> -> memref<128xi32, #tpu.memory_space<vmem>>
    %dma_wait3A_343 = arith.constant 0 : i32
    %dma_wait3A_344 = tpu.memref_slice %arg2[%dma_wait3A_343] : memref<1000000xf32, #tpu.memory_space<hbm>> -> memref<1000000xf32, #tpu.memory_space<hbm>>
    tpu.wait_indirect_dma semaphore(%arg16 : memref<!tpu.dma_semaphore, #tpu.memory_space<semaphore_mem>>) src(%dma_wait3A_344 : memref<1000000xf32, #tpu.memory_space<hbm>>) dst(%dma_wait3A_340 : memref<128xf32, #tpu.memory_space<vmem>>)
    %dma_wait3A_345 = arith.constant 0 : i32
    %dma_wait3A_346 = arith.constant 384 : i32
    %dma_wait3A_347 = tpu.memref_slice %arg15[%dma_wait3A_345, %dma_wait3A_346] : memref<10x512xf32, #tpu.memory_space<vmem>> -> memref<1x128xf32, #tpu.memory_space<vmem>>
    %dma_wait3A_348 = tpu.memref_squeeze %dma_wait3A_347 : memref<1x128xf32, #tpu.memory_space<vmem>> -> memref<128xf32, #tpu.memory_space<vmem>>
    %dma_wait3A_349 = arith.constant 384 : i32
    %dma_wait3A_350 = tpu.memref_slice %arg14[%dma_wait3A_349] : memref<512xi32, #tpu.memory_space<vmem>> -> memref<128xi32, #tpu.memory_space<vmem>>
    %dma_wait3A_351 = arith.constant 0 : i32
    %dma_wait3A_352 = tpu.memref_slice %arg2[%dma_wait3A_351] : memref<1000000xf32, #tpu.memory_space<hbm>> -> memref<1000000xf32, #tpu.memory_space<hbm>>
    tpu.wait_indirect_dma semaphore(%arg16 : memref<!tpu.dma_semaphore, #tpu.memory_space<semaphore_mem>>) src(%dma_wait3A_352 : memref<1000000xf32, #tpu.memory_space<hbm>>) dst(%dma_wait3A_348 : memref<128xf32, #tpu.memory_space<vmem>>)
    %dma_wait3A_353 = arith.constant 1 : i32
    %dma_wait3A_354 = arith.constant 0 : i32
    %dma_wait3A_355 = tpu.memref_slice %arg15[%dma_wait3A_353, %dma_wait3A_354] : memref<10x512xf32, #tpu.memory_space<vmem>> -> memref<1x128xf32, #tpu.memory_space<vmem>>
    %dma_wait3A_356 = tpu.memref_squeeze %dma_wait3A_355 : memref<1x128xf32, #tpu.memory_space<vmem>> -> memref<128xf32, #tpu.memory_space<vmem>>
    %dma_wait3A_357 = arith.constant 0 : i32
    %dma_wait3A_358 = tpu.memref_slice %arg14[%dma_wait3A_357] : memref<512xi32, #tpu.memory_space<vmem>> -> memref<128xi32, #tpu.memory_space<vmem>>
    %dma_wait3A_359 = arith.constant 0 : i32
    %dma_wait3A_360 = tpu.memref_slice %arg3[%dma_wait3A_359] : memref<1000000xf32, #tpu.memory_space<hbm>> -> memref<1000000xf32, #tpu.memory_space<hbm>>
    tpu.wait_indirect_dma semaphore(%arg16 : memref<!tpu.dma_semaphore, #tpu.memory_space<semaphore_mem>>) src(%dma_wait3A_360 : memref<1000000xf32, #tpu.memory_space<hbm>>) dst(%dma_wait3A_356 : memref<128xf32, #tpu.memory_space<vmem>>)
    %dma_wait3A_361 = arith.constant 1 : i32
    %dma_wait3A_362 = arith.constant 128 : i32
    %dma_wait3A_363 = tpu.memref_slice %arg15[%dma_wait3A_361, %dma_wait3A_362] : memref<10x512xf32, #tpu.memory_space<vmem>> -> memref<1x128xf32, #tpu.memory_space<vmem>>
    %dma_wait3A_364 = tpu.memref_squeeze %dma_wait3A_363 : memref<1x128xf32, #tpu.memory_space<vmem>> -> memref<128xf32, #tpu.memory_space<vmem>>
    %dma_wait3A_365 = arith.constant 128 : i32
    %dma_wait3A_366 = tpu.memref_slice %arg14[%dma_wait3A_365] : memref<512xi32, #tpu.memory_space<vmem>> -> memref<128xi32, #tpu.memory_space<vmem>>
    %dma_wait3A_367 = arith.constant 0 : i32
    %dma_wait3A_368 = tpu.memref_slice %arg3[%dma_wait3A_367] : memref<1000000xf32, #tpu.memory_space<hbm>> -> memref<1000000xf32, #tpu.memory_space<hbm>>
    tpu.wait_indirect_dma semaphore(%arg16 : memref<!tpu.dma_semaphore, #tpu.memory_space<semaphore_mem>>) src(%dma_wait3A_368 : memref<1000000xf32, #tpu.memory_space<hbm>>) dst(%dma_wait3A_364 : memref<128xf32, #tpu.memory_space<vmem>>)
    %dma_wait3A_369 = arith.constant 1 : i32
    %dma_wait3A_370 = arith.constant 256 : i32
    %dma_wait3A_371 = tpu.memref_slice %arg15[%dma_wait3A_369, %dma_wait3A_370] : memref<10x512xf32, #tpu.memory_space<vmem>> -> memref<1x128xf32, #tpu.memory_space<vmem>>
    %dma_wait3A_372 = tpu.memref_squeeze %dma_wait3A_371 : memref<1x128xf32, #tpu.memory_space<vmem>> -> memref<128xf32, #tpu.memory_space<vmem>>
    %dma_wait3A_373 = arith.constant 256 : i32
    %dma_wait3A_374 = tpu.memref_slice %arg14[%dma_wait3A_373] : memref<512xi32, #tpu.memory_space<vmem>> -> memref<128xi32, #tpu.memory_space<vmem>>
    %dma_wait3A_375 = arith.constant 0 : i32
    %dma_wait3A_376 = tpu.memref_slice %arg3[%dma_wait3A_375] : memref<1000000xf32, #tpu.memory_space<hbm>> -> memref<1000000xf32, #tpu.memory_space<hbm>>
    tpu.wait_indirect_dma semaphore(%arg16 : memref<!tpu.dma_semaphore, #tpu.memory_space<semaphore_mem>>) src(%dma_wait3A_376 : memref<1000000xf32, #tpu.memory_space<hbm>>) dst(%dma_wait3A_372 : memref<128xf32, #tpu.memory_space<vmem>>)
    %dma_wait3A_377 = arith.constant 1 : i32
    %dma_wait3A_378 = arith.constant 384 : i32
    %dma_wait3A_379 = tpu.memref_slice %arg15[%dma_wait3A_377, %dma_wait3A_378] : memref<10x512xf32, #tpu.memory_space<vmem>> -> memref<1x128xf32, #tpu.memory_space<vmem>>
    %dma_wait3A_380 = tpu.memref_squeeze %dma_wait3A_379 : memref<1x128xf32, #tpu.memory_space<vmem>> -> memref<128xf32, #tpu.memory_space<vmem>>
    %dma_wait3A_381 = arith.constant 384 : i32
    %dma_wait3A_382 = tpu.memref_slice %arg14[%dma_wait3A_381] : memref<512xi32, #tpu.memory_space<vmem>> -> memref<128xi32, #tpu.memory_space<vmem>>
    %dma_wait3A_383 = arith.constant 0 : i32
    %dma_wait3A_384 = tpu.memref_slice %arg3[%dma_wait3A_383] : memref<1000000xf32, #tpu.memory_space<hbm>> -> memref<1000000xf32, #tpu.memory_space<hbm>>
    tpu.wait_indirect_dma semaphore(%arg16 : memref<!tpu.dma_semaphore, #tpu.memory_space<semaphore_mem>>) src(%dma_wait3A_384 : memref<1000000xf32, #tpu.memory_space<hbm>>) dst(%dma_wait3A_380 : memref<128xf32, #tpu.memory_space<vmem>>)
    %dma_wait3A_385 = arith.constant 2 : i32
    %dma_wait3A_386 = arith.constant 0 : i32
    %dma_wait3A_387 = tpu.memref_slice %arg15[%dma_wait3A_385, %dma_wait3A_386] : memref<10x512xf32, #tpu.memory_space<vmem>> -> memref<1x128xf32, #tpu.memory_space<vmem>>
    %dma_wait3A_388 = tpu.memref_squeeze %dma_wait3A_387 : memref<1x128xf32, #tpu.memory_space<vmem>> -> memref<128xf32, #tpu.memory_space<vmem>>
    %dma_wait3A_389 = arith.constant 0 : i32
    %dma_wait3A_390 = tpu.memref_slice %arg14[%dma_wait3A_389] : memref<512xi32, #tpu.memory_space<vmem>> -> memref<128xi32, #tpu.memory_space<vmem>>
    %dma_wait3A_391 = arith.constant 0 : i32
    %dma_wait3A_392 = tpu.memref_slice %arg4[%dma_wait3A_391] : memref<1000000xf32, #tpu.memory_space<hbm>> -> memref<1000000xf32, #tpu.memory_space<hbm>>
    tpu.wait_indirect_dma semaphore(%arg16 : memref<!tpu.dma_semaphore, #tpu.memory_space<semaphore_mem>>) src(%dma_wait3A_392 : memref<1000000xf32, #tpu.memory_space<hbm>>) dst(%dma_wait3A_388 : memref<128xf32, #tpu.memory_space<vmem>>)
    %dma_wait3A_393 = arith.constant 2 : i32
    %dma_wait3A_394 = arith.constant 128 : i32
    %dma_wait3A_395 = tpu.memref_slice %arg15[%dma_wait3A_393, %dma_wait3A_394] : memref<10x512xf32, #tpu.memory_space<vmem>> -> memref<1x128xf32, #tpu.memory_space<vmem>>
    %dma_wait3A_396 = tpu.memref_squeeze %dma_wait3A_395 : memref<1x128xf32, #tpu.memory_space<vmem>> -> memref<128xf32, #tpu.memory_space<vmem>>
    %dma_wait3A_397 = arith.constant 128 : i32
    %dma_wait3A_398 = tpu.memref_slice %arg14[%dma_wait3A_397] : memref<512xi32, #tpu.memory_space<vmem>> -> memref<128xi32, #tpu.memory_space<vmem>>
    %dma_wait3A_399 = arith.constant 0 : i32
    %dma_wait3A_400 = tpu.memref_slice %arg4[%dma_wait3A_399] : memref<1000000xf32, #tpu.memory_space<hbm>> -> memref<1000000xf32, #tpu.memory_space<hbm>>
    tpu.wait_indirect_dma semaphore(%arg16 : memref<!tpu.dma_semaphore, #tpu.memory_space<semaphore_mem>>) src(%dma_wait3A_400 : memref<1000000xf32, #tpu.memory_space<hbm>>) dst(%dma_wait3A_396 : memref<128xf32, #tpu.memory_space<vmem>>)
    %dma_wait3A_401 = arith.constant 2 : i32
    %dma_wait3A_402 = arith.constant 256 : i32
    %dma_wait3A_403 = tpu.memref_slice %arg15[%dma_wait3A_401, %dma_wait3A_402] : memref<10x512xf32, #tpu.memory_space<vmem>> -> memref<1x128xf32, #tpu.memory_space<vmem>>
    %dma_wait3A_404 = tpu.memref_squeeze %dma_wait3A_403 : memref<1x128xf32, #tpu.memory_space<vmem>> -> memref<128xf32, #tpu.memory_space<vmem>>
    %dma_wait3A_405 = arith.constant 256 : i32
    %dma_wait3A_406 = tpu.memref_slice %arg14[%dma_wait3A_405] : memref<512xi32, #tpu.memory_space<vmem>> -> memref<128xi32, #tpu.memory_space<vmem>>
    %dma_wait3A_407 = arith.constant 0 : i32
    %dma_wait3A_408 = tpu.memref_slice %arg4[%dma_wait3A_407] : memref<1000000xf32, #tpu.memory_space<hbm>> -> memref<1000000xf32, #tpu.memory_space<hbm>>
    tpu.wait_indirect_dma semaphore(%arg16 : memref<!tpu.dma_semaphore, #tpu.memory_space<semaphore_mem>>) src(%dma_wait3A_408 : memref<1000000xf32, #tpu.memory_space<hbm>>) dst(%dma_wait3A_404 : memref<128xf32, #tpu.memory_space<vmem>>)
    %dma_wait3A_409 = arith.constant 2 : i32
    %dma_wait3A_410 = arith.constant 384 : i32
    %dma_wait3A_411 = tpu.memref_slice %arg15[%dma_wait3A_409, %dma_wait3A_410] : memref<10x512xf32, #tpu.memory_space<vmem>> -> memref<1x128xf32, #tpu.memory_space<vmem>>
    %dma_wait3A_412 = tpu.memref_squeeze %dma_wait3A_411 : memref<1x128xf32, #tpu.memory_space<vmem>> -> memref<128xf32, #tpu.memory_space<vmem>>
    %dma_wait3A_413 = arith.constant 384 : i32
    %dma_wait3A_414 = tpu.memref_slice %arg14[%dma_wait3A_413] : memref<512xi32, #tpu.memory_space<vmem>> -> memref<128xi32, #tpu.memory_space<vmem>>
    %dma_wait3A_415 = arith.constant 0 : i32
    %dma_wait3A_416 = tpu.memref_slice %arg4[%dma_wait3A_415] : memref<1000000xf32, #tpu.memory_space<hbm>> -> memref<1000000xf32, #tpu.memory_space<hbm>>
    tpu.wait_indirect_dma semaphore(%arg16 : memref<!tpu.dma_semaphore, #tpu.memory_space<semaphore_mem>>) src(%dma_wait3A_416 : memref<1000000xf32, #tpu.memory_space<hbm>>) dst(%dma_wait3A_412 : memref<128xf32, #tpu.memory_space<vmem>>)
    %dma_wait3A_417 = arith.constant 3 : i32
    %dma_wait3A_418 = arith.constant 0 : i32
    %dma_wait3A_419 = tpu.memref_slice %arg15[%dma_wait3A_417, %dma_wait3A_418] : memref<10x512xf32, #tpu.memory_space<vmem>> -> memref<1x128xf32, #tpu.memory_space<vmem>>
    %dma_wait3A_420 = tpu.memref_squeeze %dma_wait3A_419 : memref<1x128xf32, #tpu.memory_space<vmem>> -> memref<128xf32, #tpu.memory_space<vmem>>
    %dma_wait3A_421 = arith.constant 0 : i32
    %dma_wait3A_422 = tpu.memref_slice %arg14[%dma_wait3A_421] : memref<512xi32, #tpu.memory_space<vmem>> -> memref<128xi32, #tpu.memory_space<vmem>>
    %dma_wait3A_423 = arith.constant 0 : i32
    %dma_wait3A_424 = tpu.memref_slice %arg5[%dma_wait3A_423] : memref<1000000xf32, #tpu.memory_space<hbm>> -> memref<1000000xf32, #tpu.memory_space<hbm>>
    tpu.wait_indirect_dma semaphore(%arg16 : memref<!tpu.dma_semaphore, #tpu.memory_space<semaphore_mem>>) src(%dma_wait3A_424 : memref<1000000xf32, #tpu.memory_space<hbm>>) dst(%dma_wait3A_420 : memref<128xf32, #tpu.memory_space<vmem>>)
    %dma_wait3A_425 = arith.constant 3 : i32
    %dma_wait3A_426 = arith.constant 128 : i32
    %dma_wait3A_427 = tpu.memref_slice %arg15[%dma_wait3A_425, %dma_wait3A_426] : memref<10x512xf32, #tpu.memory_space<vmem>> -> memref<1x128xf32, #tpu.memory_space<vmem>>
    %dma_wait3A_428 = tpu.memref_squeeze %dma_wait3A_427 : memref<1x128xf32, #tpu.memory_space<vmem>> -> memref<128xf32, #tpu.memory_space<vmem>>
    %dma_wait3A_429 = arith.constant 128 : i32
    %dma_wait3A_430 = tpu.memref_slice %arg14[%dma_wait3A_429] : memref<512xi32, #tpu.memory_space<vmem>> -> memref<128xi32, #tpu.memory_space<vmem>>
    %dma_wait3A_431 = arith.constant 0 : i32
    %dma_wait3A_432 = tpu.memref_slice %arg5[%dma_wait3A_431] : memref<1000000xf32, #tpu.memory_space<hbm>> -> memref<1000000xf32, #tpu.memory_space<hbm>>
    tpu.wait_indirect_dma semaphore(%arg16 : memref<!tpu.dma_semaphore, #tpu.memory_space<semaphore_mem>>) src(%dma_wait3A_432 : memref<1000000xf32, #tpu.memory_space<hbm>>) dst(%dma_wait3A_428 : memref<128xf32, #tpu.memory_space<vmem>>)
    %dma_wait3A_433 = arith.constant 3 : i32
    %dma_wait3A_434 = arith.constant 256 : i32
    %dma_wait3A_435 = tpu.memref_slice %arg15[%dma_wait3A_433, %dma_wait3A_434] : memref<10x512xf32, #tpu.memory_space<vmem>> -> memref<1x128xf32, #tpu.memory_space<vmem>>
    %dma_wait3A_436 = tpu.memref_squeeze %dma_wait3A_435 : memref<1x128xf32, #tpu.memory_space<vmem>> -> memref<128xf32, #tpu.memory_space<vmem>>
    %dma_wait3A_437 = arith.constant 256 : i32
    %dma_wait3A_438 = tpu.memref_slice %arg14[%dma_wait3A_437] : memref<512xi32, #tpu.memory_space<vmem>> -> memref<128xi32, #tpu.memory_space<vmem>>
    %dma_wait3A_439 = arith.constant 0 : i32
    %dma_wait3A_440 = tpu.memref_slice %arg5[%dma_wait3A_439] : memref<1000000xf32, #tpu.memory_space<hbm>> -> memref<1000000xf32, #tpu.memory_space<hbm>>
    tpu.wait_indirect_dma semaphore(%arg16 : memref<!tpu.dma_semaphore, #tpu.memory_space<semaphore_mem>>) src(%dma_wait3A_440 : memref<1000000xf32, #tpu.memory_space<hbm>>) dst(%dma_wait3A_436 : memref<128xf32, #tpu.memory_space<vmem>>)
    %dma_wait3A_441 = arith.constant 3 : i32
    %dma_wait3A_442 = arith.constant 384 : i32
    %dma_wait3A_443 = tpu.memref_slice %arg15[%dma_wait3A_441, %dma_wait3A_442] : memref<10x512xf32, #tpu.memory_space<vmem>> -> memref<1x128xf32, #tpu.memory_space<vmem>>
    %dma_wait3A_444 = tpu.memref_squeeze %dma_wait3A_443 : memref<1x128xf32, #tpu.memory_space<vmem>> -> memref<128xf32, #tpu.memory_space<vmem>>
    %dma_wait3A_445 = arith.constant 384 : i32
    %dma_wait3A_446 = tpu.memref_slice %arg14[%dma_wait3A_445] : memref<512xi32, #tpu.memory_space<vmem>> -> memref<128xi32, #tpu.memory_space<vmem>>
    %dma_wait3A_447 = arith.constant 0 : i32
    %dma_wait3A_448 = tpu.memref_slice %arg5[%dma_wait3A_447] : memref<1000000xf32, #tpu.memory_space<hbm>> -> memref<1000000xf32, #tpu.memory_space<hbm>>
    tpu.wait_indirect_dma semaphore(%arg16 : memref<!tpu.dma_semaphore, #tpu.memory_space<semaphore_mem>>) src(%dma_wait3A_448 : memref<1000000xf32, #tpu.memory_space<hbm>>) dst(%dma_wait3A_444 : memref<128xf32, #tpu.memory_space<vmem>>)
    %dma_wait3A_449 = arith.constant 4 : i32
    %dma_wait3A_450 = arith.constant 0 : i32
    %dma_wait3A_451 = tpu.memref_slice %arg15[%dma_wait3A_449, %dma_wait3A_450] : memref<10x512xf32, #tpu.memory_space<vmem>> -> memref<1x128xf32, #tpu.memory_space<vmem>>
    %dma_wait3A_452 = tpu.memref_squeeze %dma_wait3A_451 : memref<1x128xf32, #tpu.memory_space<vmem>> -> memref<128xf32, #tpu.memory_space<vmem>>
    %dma_wait3A_453 = arith.constant 0 : i32
    %dma_wait3A_454 = tpu.memref_slice %arg14[%dma_wait3A_453] : memref<512xi32, #tpu.memory_space<vmem>> -> memref<128xi32, #tpu.memory_space<vmem>>
    %dma_wait3A_455 = arith.constant 0 : i32
    %dma_wait3A_456 = tpu.memref_slice %arg6[%dma_wait3A_455] : memref<1000000xf32, #tpu.memory_space<hbm>> -> memref<1000000xf32, #tpu.memory_space<hbm>>
    tpu.wait_indirect_dma semaphore(%arg16 : memref<!tpu.dma_semaphore, #tpu.memory_space<semaphore_mem>>) src(%dma_wait3A_456 : memref<1000000xf32, #tpu.memory_space<hbm>>) dst(%dma_wait3A_452 : memref<128xf32, #tpu.memory_space<vmem>>)
    %dma_wait3A_457 = arith.constant 4 : i32
    %dma_wait3A_458 = arith.constant 128 : i32
    %dma_wait3A_459 = tpu.memref_slice %arg15[%dma_wait3A_457, %dma_wait3A_458] : memref<10x512xf32, #tpu.memory_space<vmem>> -> memref<1x128xf32, #tpu.memory_space<vmem>>
    %dma_wait3A_460 = tpu.memref_squeeze %dma_wait3A_459 : memref<1x128xf32, #tpu.memory_space<vmem>> -> memref<128xf32, #tpu.memory_space<vmem>>
    %dma_wait3A_461 = arith.constant 128 : i32
    %dma_wait3A_462 = tpu.memref_slice %arg14[%dma_wait3A_461] : memref<512xi32, #tpu.memory_space<vmem>> -> memref<128xi32, #tpu.memory_space<vmem>>
    %dma_wait3A_463 = arith.constant 0 : i32
    %dma_wait3A_464 = tpu.memref_slice %arg6[%dma_wait3A_463] : memref<1000000xf32, #tpu.memory_space<hbm>> -> memref<1000000xf32, #tpu.memory_space<hbm>>
    tpu.wait_indirect_dma semaphore(%arg16 : memref<!tpu.dma_semaphore, #tpu.memory_space<semaphore_mem>>) src(%dma_wait3A_464 : memref<1000000xf32, #tpu.memory_space<hbm>>) dst(%dma_wait3A_460 : memref<128xf32, #tpu.memory_space<vmem>>)
    %dma_wait3A_465 = arith.constant 4 : i32
    %dma_wait3A_466 = arith.constant 256 : i32
    %dma_wait3A_467 = tpu.memref_slice %arg15[%dma_wait3A_465, %dma_wait3A_466] : memref<10x512xf32, #tpu.memory_space<vmem>> -> memref<1x128xf32, #tpu.memory_space<vmem>>
    %dma_wait3A_468 = tpu.memref_squeeze %dma_wait3A_467 : memref<1x128xf32, #tpu.memory_space<vmem>> -> memref<128xf32, #tpu.memory_space<vmem>>
    %dma_wait3A_469 = arith.constant 256 : i32
    %dma_wait3A_470 = tpu.memref_slice %arg14[%dma_wait3A_469] : memref<512xi32, #tpu.memory_space<vmem>> -> memref<128xi32, #tpu.memory_space<vmem>>
    %dma_wait3A_471 = arith.constant 0 : i32
    %dma_wait3A_472 = tpu.memref_slice %arg6[%dma_wait3A_471] : memref<1000000xf32, #tpu.memory_space<hbm>> -> memref<1000000xf32, #tpu.memory_space<hbm>>
    tpu.wait_indirect_dma semaphore(%arg16 : memref<!tpu.dma_semaphore, #tpu.memory_space<semaphore_mem>>) src(%dma_wait3A_472 : memref<1000000xf32, #tpu.memory_space<hbm>>) dst(%dma_wait3A_468 : memref<128xf32, #tpu.memory_space<vmem>>)
    %dma_wait3A_473 = arith.constant 4 : i32
    %dma_wait3A_474 = arith.constant 384 : i32
    %dma_wait3A_475 = tpu.memref_slice %arg15[%dma_wait3A_473, %dma_wait3A_474] : memref<10x512xf32, #tpu.memory_space<vmem>> -> memref<1x128xf32, #tpu.memory_space<vmem>>
    %dma_wait3A_476 = tpu.memref_squeeze %dma_wait3A_475 : memref<1x128xf32, #tpu.memory_space<vmem>> -> memref<128xf32, #tpu.memory_space<vmem>>
    %dma_wait3A_477 = arith.constant 384 : i32
    %dma_wait3A_478 = tpu.memref_slice %arg14[%dma_wait3A_477] : memref<512xi32, #tpu.memory_space<vmem>> -> memref<128xi32, #tpu.memory_space<vmem>>
    %dma_wait3A_479 = arith.constant 0 : i32
    %dma_wait3A_480 = tpu.memref_slice %arg6[%dma_wait3A_479] : memref<1000000xf32, #tpu.memory_space<hbm>> -> memref<1000000xf32, #tpu.memory_space<hbm>>
    tpu.wait_indirect_dma semaphore(%arg16 : memref<!tpu.dma_semaphore, #tpu.memory_space<semaphore_mem>>) src(%dma_wait3A_480 : memref<1000000xf32, #tpu.memory_space<hbm>>) dst(%dma_wait3A_476 : memref<128xf32, #tpu.memory_space<vmem>>)
    %dma_wait3A_481 = arith.constant 5 : i32
    %dma_wait3A_482 = arith.constant 0 : i32
    %dma_wait3A_483 = tpu.memref_slice %arg15[%dma_wait3A_481, %dma_wait3A_482] : memref<10x512xf32, #tpu.memory_space<vmem>> -> memref<1x128xf32, #tpu.memory_space<vmem>>
    %dma_wait3A_484 = tpu.memref_squeeze %dma_wait3A_483 : memref<1x128xf32, #tpu.memory_space<vmem>> -> memref<128xf32, #tpu.memory_space<vmem>>
    %dma_wait3A_485 = arith.constant 0 : i32
    %dma_wait3A_486 = tpu.memref_slice %arg14[%dma_wait3A_485] : memref<512xi32, #tpu.memory_space<vmem>> -> memref<128xi32, #tpu.memory_space<vmem>>
    %dma_wait3A_487 = arith.constant 0 : i32
    %dma_wait3A_488 = tpu.memref_slice %arg7[%dma_wait3A_487] : memref<1000000xf32, #tpu.memory_space<hbm>> -> memref<1000000xf32, #tpu.memory_space<hbm>>
    tpu.wait_indirect_dma semaphore(%arg16 : memref<!tpu.dma_semaphore, #tpu.memory_space<semaphore_mem>>) src(%dma_wait3A_488 : memref<1000000xf32, #tpu.memory_space<hbm>>) dst(%dma_wait3A_484 : memref<128xf32, #tpu.memory_space<vmem>>)
    %dma_wait3A_489 = arith.constant 5 : i32
    %dma_wait3A_490 = arith.constant 128 : i32
    %dma_wait3A_491 = tpu.memref_slice %arg15[%dma_wait3A_489, %dma_wait3A_490] : memref<10x512xf32, #tpu.memory_space<vmem>> -> memref<1x128xf32, #tpu.memory_space<vmem>>
    %dma_wait3A_492 = tpu.memref_squeeze %dma_wait3A_491 : memref<1x128xf32, #tpu.memory_space<vmem>> -> memref<128xf32, #tpu.memory_space<vmem>>
    %dma_wait3A_493 = arith.constant 128 : i32
    %dma_wait3A_494 = tpu.memref_slice %arg14[%dma_wait3A_493] : memref<512xi32, #tpu.memory_space<vmem>> -> memref<128xi32, #tpu.memory_space<vmem>>
    %dma_wait3A_495 = arith.constant 0 : i32
    %dma_wait3A_496 = tpu.memref_slice %arg7[%dma_wait3A_495] : memref<1000000xf32, #tpu.memory_space<hbm>> -> memref<1000000xf32, #tpu.memory_space<hbm>>
    tpu.wait_indirect_dma semaphore(%arg16 : memref<!tpu.dma_semaphore, #tpu.memory_space<semaphore_mem>>) src(%dma_wait3A_496 : memref<1000000xf32, #tpu.memory_space<hbm>>) dst(%dma_wait3A_492 : memref<128xf32, #tpu.memory_space<vmem>>)
    %dma_wait3A_497 = arith.constant 5 : i32
    %dma_wait3A_498 = arith.constant 256 : i32
    %dma_wait3A_499 = tpu.memref_slice %arg15[%dma_wait3A_497, %dma_wait3A_498] : memref<10x512xf32, #tpu.memory_space<vmem>> -> memref<1x128xf32, #tpu.memory_space<vmem>>
    %dma_wait3A_500 = tpu.memref_squeeze %dma_wait3A_499 : memref<1x128xf32, #tpu.memory_space<vmem>> -> memref<128xf32, #tpu.memory_space<vmem>>
    %dma_wait3A_501 = arith.constant 256 : i32
    %dma_wait3A_502 = tpu.memref_slice %arg14[%dma_wait3A_501] : memref<512xi32, #tpu.memory_space<vmem>> -> memref<128xi32, #tpu.memory_space<vmem>>
    %dma_wait3A_503 = arith.constant 0 : i32
    %dma_wait3A_504 = tpu.memref_slice %arg7[%dma_wait3A_503] : memref<1000000xf32, #tpu.memory_space<hbm>> -> memref<1000000xf32, #tpu.memory_space<hbm>>
    tpu.wait_indirect_dma semaphore(%arg16 : memref<!tpu.dma_semaphore, #tpu.memory_space<semaphore_mem>>) src(%dma_wait3A_504 : memref<1000000xf32, #tpu.memory_space<hbm>>) dst(%dma_wait3A_500 : memref<128xf32, #tpu.memory_space<vmem>>)
    %dma_wait3A_505 = arith.constant 5 : i32
    %dma_wait3A_506 = arith.constant 384 : i32
    %dma_wait3A_507 = tpu.memref_slice %arg15[%dma_wait3A_505, %dma_wait3A_506] : memref<10x512xf32, #tpu.memory_space<vmem>> -> memref<1x128xf32, #tpu.memory_space<vmem>>
    %dma_wait3A_508 = tpu.memref_squeeze %dma_wait3A_507 : memref<1x128xf32, #tpu.memory_space<vmem>> -> memref<128xf32, #tpu.memory_space<vmem>>
    %dma_wait3A_509 = arith.constant 384 : i32
    %dma_wait3A_510 = tpu.memref_slice %arg14[%dma_wait3A_509] : memref<512xi32, #tpu.memory_space<vmem>> -> memref<128xi32, #tpu.memory_space<vmem>>
    %dma_wait3A_511 = arith.constant 0 : i32
    %dma_wait3A_512 = tpu.memref_slice %arg7[%dma_wait3A_511] : memref<1000000xf32, #tpu.memory_space<hbm>> -> memref<1000000xf32, #tpu.memory_space<hbm>>
    tpu.wait_indirect_dma semaphore(%arg16 : memref<!tpu.dma_semaphore, #tpu.memory_space<semaphore_mem>>) src(%dma_wait3A_512 : memref<1000000xf32, #tpu.memory_space<hbm>>) dst(%dma_wait3A_508 : memref<128xf32, #tpu.memory_space<vmem>>)
    %dma_wait3A_513 = arith.constant 6 : i32
    %dma_wait3A_514 = arith.constant 0 : i32
    %dma_wait3A_515 = tpu.memref_slice %arg15[%dma_wait3A_513, %dma_wait3A_514] : memref<10x512xf32, #tpu.memory_space<vmem>> -> memref<1x128xf32, #tpu.memory_space<vmem>>
    %dma_wait3A_516 = tpu.memref_squeeze %dma_wait3A_515 : memref<1x128xf32, #tpu.memory_space<vmem>> -> memref<128xf32, #tpu.memory_space<vmem>>
    %dma_wait3A_517 = arith.constant 0 : i32
    %dma_wait3A_518 = tpu.memref_slice %arg14[%dma_wait3A_517] : memref<512xi32, #tpu.memory_space<vmem>> -> memref<128xi32, #tpu.memory_space<vmem>>
    %dma_wait3A_519 = arith.constant 0 : i32
    %dma_wait3A_520 = tpu.memref_slice %arg8[%dma_wait3A_519] : memref<1000000xf32, #tpu.memory_space<hbm>> -> memref<1000000xf32, #tpu.memory_space<hbm>>
    tpu.wait_indirect_dma semaphore(%arg16 : memref<!tpu.dma_semaphore, #tpu.memory_space<semaphore_mem>>) src(%dma_wait3A_520 : memref<1000000xf32, #tpu.memory_space<hbm>>) dst(%dma_wait3A_516 : memref<128xf32, #tpu.memory_space<vmem>>)
    %dma_wait3A_521 = arith.constant 6 : i32
    %dma_wait3A_522 = arith.constant 128 : i32
    %dma_wait3A_523 = tpu.memref_slice %arg15[%dma_wait3A_521, %dma_wait3A_522] : memref<10x512xf32, #tpu.memory_space<vmem>> -> memref<1x128xf32, #tpu.memory_space<vmem>>
    %dma_wait3A_524 = tpu.memref_squeeze %dma_wait3A_523 : memref<1x128xf32, #tpu.memory_space<vmem>> -> memref<128xf32, #tpu.memory_space<vmem>>
    %dma_wait3A_525 = arith.constant 128 : i32
    %dma_wait3A_526 = tpu.memref_slice %arg14[%dma_wait3A_525] : memref<512xi32, #tpu.memory_space<vmem>> -> memref<128xi32, #tpu.memory_space<vmem>>
    %dma_wait3A_527 = arith.constant 0 : i32
    %dma_wait3A_528 = tpu.memref_slice %arg8[%dma_wait3A_527] : memref<1000000xf32, #tpu.memory_space<hbm>> -> memref<1000000xf32, #tpu.memory_space<hbm>>
    tpu.wait_indirect_dma semaphore(%arg16 : memref<!tpu.dma_semaphore, #tpu.memory_space<semaphore_mem>>) src(%dma_wait3A_528 : memref<1000000xf32, #tpu.memory_space<hbm>>) dst(%dma_wait3A_524 : memref<128xf32, #tpu.memory_space<vmem>>)
    %dma_wait3A_529 = arith.constant 6 : i32
    %dma_wait3A_530 = arith.constant 256 : i32
    %dma_wait3A_531 = tpu.memref_slice %arg15[%dma_wait3A_529, %dma_wait3A_530] : memref<10x512xf32, #tpu.memory_space<vmem>> -> memref<1x128xf32, #tpu.memory_space<vmem>>
    %dma_wait3A_532 = tpu.memref_squeeze %dma_wait3A_531 : memref<1x128xf32, #tpu.memory_space<vmem>> -> memref<128xf32, #tpu.memory_space<vmem>>
    %dma_wait3A_533 = arith.constant 256 : i32
    %dma_wait3A_534 = tpu.memref_slice %arg14[%dma_wait3A_533] : memref<512xi32, #tpu.memory_space<vmem>> -> memref<128xi32, #tpu.memory_space<vmem>>
    %dma_wait3A_535 = arith.constant 0 : i32
    %dma_wait3A_536 = tpu.memref_slice %arg8[%dma_wait3A_535] : memref<1000000xf32, #tpu.memory_space<hbm>> -> memref<1000000xf32, #tpu.memory_space<hbm>>
    tpu.wait_indirect_dma semaphore(%arg16 : memref<!tpu.dma_semaphore, #tpu.memory_space<semaphore_mem>>) src(%dma_wait3A_536 : memref<1000000xf32, #tpu.memory_space<hbm>>) dst(%dma_wait3A_532 : memref<128xf32, #tpu.memory_space<vmem>>)
    %dma_wait3A_537 = arith.constant 6 : i32
    %dma_wait3A_538 = arith.constant 384 : i32
    %dma_wait3A_539 = tpu.memref_slice %arg15[%dma_wait3A_537, %dma_wait3A_538] : memref<10x512xf32, #tpu.memory_space<vmem>> -> memref<1x128xf32, #tpu.memory_space<vmem>>
    %dma_wait3A_540 = tpu.memref_squeeze %dma_wait3A_539 : memref<1x128xf32, #tpu.memory_space<vmem>> -> memref<128xf32, #tpu.memory_space<vmem>>
    %dma_wait3A_541 = arith.constant 384 : i32
    %dma_wait3A_542 = tpu.memref_slice %arg14[%dma_wait3A_541] : memref<512xi32, #tpu.memory_space<vmem>> -> memref<128xi32, #tpu.memory_space<vmem>>
    %dma_wait3A_543 = arith.constant 0 : i32
    %dma_wait3A_544 = tpu.memref_slice %arg8[%dma_wait3A_543] : memref<1000000xf32, #tpu.memory_space<hbm>> -> memref<1000000xf32, #tpu.memory_space<hbm>>
    tpu.wait_indirect_dma semaphore(%arg16 : memref<!tpu.dma_semaphore, #tpu.memory_space<semaphore_mem>>) src(%dma_wait3A_544 : memref<1000000xf32, #tpu.memory_space<hbm>>) dst(%dma_wait3A_540 : memref<128xf32, #tpu.memory_space<vmem>>)
    %dma_wait3A_545 = arith.constant 7 : i32
    %dma_wait3A_546 = arith.constant 0 : i32
    %dma_wait3A_547 = tpu.memref_slice %arg15[%dma_wait3A_545, %dma_wait3A_546] : memref<10x512xf32, #tpu.memory_space<vmem>> -> memref<1x128xf32, #tpu.memory_space<vmem>>
    %dma_wait3A_548 = tpu.memref_squeeze %dma_wait3A_547 : memref<1x128xf32, #tpu.memory_space<vmem>> -> memref<128xf32, #tpu.memory_space<vmem>>
    %dma_wait3A_549 = arith.constant 0 : i32
    %dma_wait3A_550 = tpu.memref_slice %arg14[%dma_wait3A_549] : memref<512xi32, #tpu.memory_space<vmem>> -> memref<128xi32, #tpu.memory_space<vmem>>
    %dma_wait3A_551 = arith.constant 0 : i32
    %dma_wait3A_552 = tpu.memref_slice %arg9[%dma_wait3A_551] : memref<1000000xf32, #tpu.memory_space<hbm>> -> memref<1000000xf32, #tpu.memory_space<hbm>>
    tpu.wait_indirect_dma semaphore(%arg16 : memref<!tpu.dma_semaphore, #tpu.memory_space<semaphore_mem>>) src(%dma_wait3A_552 : memref<1000000xf32, #tpu.memory_space<hbm>>) dst(%dma_wait3A_548 : memref<128xf32, #tpu.memory_space<vmem>>)
    %dma_wait3A_553 = arith.constant 7 : i32
    %dma_wait3A_554 = arith.constant 128 : i32
    %dma_wait3A_555 = tpu.memref_slice %arg15[%dma_wait3A_553, %dma_wait3A_554] : memref<10x512xf32, #tpu.memory_space<vmem>> -> memref<1x128xf32, #tpu.memory_space<vmem>>
    %dma_wait3A_556 = tpu.memref_squeeze %dma_wait3A_555 : memref<1x128xf32, #tpu.memory_space<vmem>> -> memref<128xf32, #tpu.memory_space<vmem>>
    %dma_wait3A_557 = arith.constant 128 : i32
    %dma_wait3A_558 = tpu.memref_slice %arg14[%dma_wait3A_557] : memref<512xi32, #tpu.memory_space<vmem>> -> memref<128xi32, #tpu.memory_space<vmem>>
    %dma_wait3A_559 = arith.constant 0 : i32
    %dma_wait3A_560 = tpu.memref_slice %arg9[%dma_wait3A_559] : memref<1000000xf32, #tpu.memory_space<hbm>> -> memref<1000000xf32, #tpu.memory_space<hbm>>
    tpu.wait_indirect_dma semaphore(%arg16 : memref<!tpu.dma_semaphore, #tpu.memory_space<semaphore_mem>>) src(%dma_wait3A_560 : memref<1000000xf32, #tpu.memory_space<hbm>>) dst(%dma_wait3A_556 : memref<128xf32, #tpu.memory_space<vmem>>)
    %dma_wait3A_561 = arith.constant 7 : i32
    %dma_wait3A_562 = arith.constant 256 : i32
    %dma_wait3A_563 = tpu.memref_slice %arg15[%dma_wait3A_561, %dma_wait3A_562] : memref<10x512xf32, #tpu.memory_space<vmem>> -> memref<1x128xf32, #tpu.memory_space<vmem>>
    %dma_wait3A_564 = tpu.memref_squeeze %dma_wait3A_563 : memref<1x128xf32, #tpu.memory_space<vmem>> -> memref<128xf32, #tpu.memory_space<vmem>>
    %dma_wait3A_565 = arith.constant 256 : i32
    %dma_wait3A_566 = tpu.memref_slice %arg14[%dma_wait3A_565] : memref<512xi32, #tpu.memory_space<vmem>> -> memref<128xi32, #tpu.memory_space<vmem>>
    %dma_wait3A_567 = arith.constant 0 : i32
    %dma_wait3A_568 = tpu.memref_slice %arg9[%dma_wait3A_567] : memref<1000000xf32, #tpu.memory_space<hbm>> -> memref<1000000xf32, #tpu.memory_space<hbm>>
    tpu.wait_indirect_dma semaphore(%arg16 : memref<!tpu.dma_semaphore, #tpu.memory_space<semaphore_mem>>) src(%dma_wait3A_568 : memref<1000000xf32, #tpu.memory_space<hbm>>) dst(%dma_wait3A_564 : memref<128xf32, #tpu.memory_space<vmem>>)
    %dma_wait3A_569 = arith.constant 7 : i32
    %dma_wait3A_570 = arith.constant 384 : i32
    %dma_wait3A_571 = tpu.memref_slice %arg15[%dma_wait3A_569, %dma_wait3A_570] : memref<10x512xf32, #tpu.memory_space<vmem>> -> memref<1x128xf32, #tpu.memory_space<vmem>>
    %dma_wait3A_572 = tpu.memref_squeeze %dma_wait3A_571 : memref<1x128xf32, #tpu.memory_space<vmem>> -> memref<128xf32, #tpu.memory_space<vmem>>
    %dma_wait3A_573 = arith.constant 384 : i32
    %dma_wait3A_574 = tpu.memref_slice %arg14[%dma_wait3A_573] : memref<512xi32, #tpu.memory_space<vmem>> -> memref<128xi32, #tpu.memory_space<vmem>>
    %dma_wait3A_575 = arith.constant 0 : i32
    %dma_wait3A_576 = tpu.memref_slice %arg9[%dma_wait3A_575] : memref<1000000xf32, #tpu.memory_space<hbm>> -> memref<1000000xf32, #tpu.memory_space<hbm>>
    tpu.wait_indirect_dma semaphore(%arg16 : memref<!tpu.dma_semaphore, #tpu.memory_space<semaphore_mem>>) src(%dma_wait3A_576 : memref<1000000xf32, #tpu.memory_space<hbm>>) dst(%dma_wait3A_572 : memref<128xf32, #tpu.memory_space<vmem>>)
    %dma_wait3A_577 = arith.constant 8 : i32
    %dma_wait3A_578 = arith.constant 0 : i32
    %dma_wait3A_579 = tpu.memref_slice %arg15[%dma_wait3A_577, %dma_wait3A_578] : memref<10x512xf32, #tpu.memory_space<vmem>> -> memref<1x128xf32, #tpu.memory_space<vmem>>
    %dma_wait3A_580 = tpu.memref_squeeze %dma_wait3A_579 : memref<1x128xf32, #tpu.memory_space<vmem>> -> memref<128xf32, #tpu.memory_space<vmem>>
    %dma_wait3A_581 = arith.constant 0 : i32
    %dma_wait3A_582 = tpu.memref_slice %arg14[%dma_wait3A_581] : memref<512xi32, #tpu.memory_space<vmem>> -> memref<128xi32, #tpu.memory_space<vmem>>
    %dma_wait3A_583 = arith.constant 0 : i32
    %dma_wait3A_584 = tpu.memref_slice %arg10[%dma_wait3A_583] : memref<1000000xf32, #tpu.memory_space<hbm>> -> memref<1000000xf32, #tpu.memory_space<hbm>>
    tpu.wait_indirect_dma semaphore(%arg16 : memref<!tpu.dma_semaphore, #tpu.memory_space<semaphore_mem>>) src(%dma_wait3A_584 : memref<1000000xf32, #tpu.memory_space<hbm>>) dst(%dma_wait3A_580 : memref<128xf32, #tpu.memory_space<vmem>>)
    %dma_wait3A_585 = arith.constant 8 : i32
    %dma_wait3A_586 = arith.constant 128 : i32
    %dma_wait3A_587 = tpu.memref_slice %arg15[%dma_wait3A_585, %dma_wait3A_586] : memref<10x512xf32, #tpu.memory_space<vmem>> -> memref<1x128xf32, #tpu.memory_space<vmem>>
    %dma_wait3A_588 = tpu.memref_squeeze %dma_wait3A_587 : memref<1x128xf32, #tpu.memory_space<vmem>> -> memref<128xf32, #tpu.memory_space<vmem>>
    %dma_wait3A_589 = arith.constant 128 : i32
    %dma_wait3A_590 = tpu.memref_slice %arg14[%dma_wait3A_589] : memref<512xi32, #tpu.memory_space<vmem>> -> memref<128xi32, #tpu.memory_space<vmem>>
    %dma_wait3A_591 = arith.constant 0 : i32
    %dma_wait3A_592 = tpu.memref_slice %arg10[%dma_wait3A_591] : memref<1000000xf32, #tpu.memory_space<hbm>> -> memref<1000000xf32, #tpu.memory_space<hbm>>
    tpu.wait_indirect_dma semaphore(%arg16 : memref<!tpu.dma_semaphore, #tpu.memory_space<semaphore_mem>>) src(%dma_wait3A_592 : memref<1000000xf32, #tpu.memory_space<hbm>>) dst(%dma_wait3A_588 : memref<128xf32, #tpu.memory_space<vmem>>)
    %dma_wait3A_593 = arith.constant 8 : i32
    %dma_wait3A_594 = arith.constant 256 : i32
    %dma_wait3A_595 = tpu.memref_slice %arg15[%dma_wait3A_593, %dma_wait3A_594] : memref<10x512xf32, #tpu.memory_space<vmem>> -> memref<1x128xf32, #tpu.memory_space<vmem>>
    %dma_wait3A_596 = tpu.memref_squeeze %dma_wait3A_595 : memref<1x128xf32, #tpu.memory_space<vmem>> -> memref<128xf32, #tpu.memory_space<vmem>>
    %dma_wait3A_597 = arith.constant 256 : i32
    %dma_wait3A_598 = tpu.memref_slice %arg14[%dma_wait3A_597] : memref<512xi32, #tpu.memory_space<vmem>> -> memref<128xi32, #tpu.memory_space<vmem>>
    %dma_wait3A_599 = arith.constant 0 : i32
    %dma_wait3A_600 = tpu.memref_slice %arg10[%dma_wait3A_599] : memref<1000000xf32, #tpu.memory_space<hbm>> -> memref<1000000xf32, #tpu.memory_space<hbm>>
    tpu.wait_indirect_dma semaphore(%arg16 : memref<!tpu.dma_semaphore, #tpu.memory_space<semaphore_mem>>) src(%dma_wait3A_600 : memref<1000000xf32, #tpu.memory_space<hbm>>) dst(%dma_wait3A_596 : memref<128xf32, #tpu.memory_space<vmem>>)
    %dma_wait3A_601 = arith.constant 8 : i32
    %dma_wait3A_602 = arith.constant 384 : i32
    %dma_wait3A_603 = tpu.memref_slice %arg15[%dma_wait3A_601, %dma_wait3A_602] : memref<10x512xf32, #tpu.memory_space<vmem>> -> memref<1x128xf32, #tpu.memory_space<vmem>>
    %dma_wait3A_604 = tpu.memref_squeeze %dma_wait3A_603 : memref<1x128xf32, #tpu.memory_space<vmem>> -> memref<128xf32, #tpu.memory_space<vmem>>
    %dma_wait3A_605 = arith.constant 384 : i32
    %dma_wait3A_606 = tpu.memref_slice %arg14[%dma_wait3A_605] : memref<512xi32, #tpu.memory_space<vmem>> -> memref<128xi32, #tpu.memory_space<vmem>>
    %dma_wait3A_607 = arith.constant 0 : i32
    %dma_wait3A_608 = tpu.memref_slice %arg10[%dma_wait3A_607] : memref<1000000xf32, #tpu.memory_space<hbm>> -> memref<1000000xf32, #tpu.memory_space<hbm>>
    tpu.wait_indirect_dma semaphore(%arg16 : memref<!tpu.dma_semaphore, #tpu.memory_space<semaphore_mem>>) src(%dma_wait3A_608 : memref<1000000xf32, #tpu.memory_space<hbm>>) dst(%dma_wait3A_604 : memref<128xf32, #tpu.memory_space<vmem>>)
    %dma_wait3A_609 = arith.constant 9 : i32
    %dma_wait3A_610 = arith.constant 0 : i32
    %dma_wait3A_611 = tpu.memref_slice %arg15[%dma_wait3A_609, %dma_wait3A_610] : memref<10x512xf32, #tpu.memory_space<vmem>> -> memref<1x128xf32, #tpu.memory_space<vmem>>
    %dma_wait3A_612 = tpu.memref_squeeze %dma_wait3A_611 : memref<1x128xf32, #tpu.memory_space<vmem>> -> memref<128xf32, #tpu.memory_space<vmem>>
    %dma_wait3A_613 = arith.constant 0 : i32
    %dma_wait3A_614 = tpu.memref_slice %arg14[%dma_wait3A_613] : memref<512xi32, #tpu.memory_space<vmem>> -> memref<128xi32, #tpu.memory_space<vmem>>
    %dma_wait3A_615 = arith.constant 0 : i32
    %dma_wait3A_616 = tpu.memref_slice %arg11[%dma_wait3A_615] : memref<1000000xf32, #tpu.memory_space<hbm>> -> memref<1000000xf32, #tpu.memory_space<hbm>>
    tpu.wait_indirect_dma semaphore(%arg16 : memref<!tpu.dma_semaphore, #tpu.memory_space<semaphore_mem>>) src(%dma_wait3A_616 : memref<1000000xf32, #tpu.memory_space<hbm>>) dst(%dma_wait3A_612 : memref<128xf32, #tpu.memory_space<vmem>>)
    %dma_wait3A_617 = arith.constant 9 : i32
    %dma_wait3A_618 = arith.constant 128 : i32
    %dma_wait3A_619 = tpu.memref_slice %arg15[%dma_wait3A_617, %dma_wait3A_618] : memref<10x512xf32, #tpu.memory_space<vmem>> -> memref<1x128xf32, #tpu.memory_space<vmem>>
    %dma_wait3A_620 = tpu.memref_squeeze %dma_wait3A_619 : memref<1x128xf32, #tpu.memory_space<vmem>> -> memref<128xf32, #tpu.memory_space<vmem>>
    %dma_wait3A_621 = arith.constant 128 : i32
    %dma_wait3A_622 = tpu.memref_slice %arg14[%dma_wait3A_621] : memref<512xi32, #tpu.memory_space<vmem>> -> memref<128xi32, #tpu.memory_space<vmem>>
    %dma_wait3A_623 = arith.constant 0 : i32
    %dma_wait3A_624 = tpu.memref_slice %arg11[%dma_wait3A_623] : memref<1000000xf32, #tpu.memory_space<hbm>> -> memref<1000000xf32, #tpu.memory_space<hbm>>
    tpu.wait_indirect_dma semaphore(%arg16 : memref<!tpu.dma_semaphore, #tpu.memory_space<semaphore_mem>>) src(%dma_wait3A_624 : memref<1000000xf32, #tpu.memory_space<hbm>>) dst(%dma_wait3A_620 : memref<128xf32, #tpu.memory_space<vmem>>)
    %dma_wait3A_625 = arith.constant 9 : i32
    %dma_wait3A_626 = arith.constant 256 : i32
    %dma_wait3A_627 = tpu.memref_slice %arg15[%dma_wait3A_625, %dma_wait3A_626] : memref<10x512xf32, #tpu.memory_space<vmem>> -> memref<1x128xf32, #tpu.memory_space<vmem>>
    %dma_wait3A_628 = tpu.memref_squeeze %dma_wait3A_627 : memref<1x128xf32, #tpu.memory_space<vmem>> -> memref<128xf32, #tpu.memory_space<vmem>>
    %dma_wait3A_629 = arith.constant 256 : i32
    %dma_wait3A_630 = tpu.memref_slice %arg14[%dma_wait3A_629] : memref<512xi32, #tpu.memory_space<vmem>> -> memref<128xi32, #tpu.memory_space<vmem>>
    %dma_wait3A_631 = arith.constant 0 : i32
    %dma_wait3A_632 = tpu.memref_slice %arg11[%dma_wait3A_631] : memref<1000000xf32, #tpu.memory_space<hbm>> -> memref<1000000xf32, #tpu.memory_space<hbm>>
    tpu.wait_indirect_dma semaphore(%arg16 : memref<!tpu.dma_semaphore, #tpu.memory_space<semaphore_mem>>) src(%dma_wait3A_632 : memref<1000000xf32, #tpu.memory_space<hbm>>) dst(%dma_wait3A_628 : memref<128xf32, #tpu.memory_space<vmem>>)
    %dma_wait3A_633 = arith.constant 9 : i32
    %dma_wait3A_634 = arith.constant 384 : i32
    %dma_wait3A_635 = tpu.memref_slice %arg15[%dma_wait3A_633, %dma_wait3A_634] : memref<10x512xf32, #tpu.memory_space<vmem>> -> memref<1x128xf32, #tpu.memory_space<vmem>>
    %dma_wait3A_636 = tpu.memref_squeeze %dma_wait3A_635 : memref<1x128xf32, #tpu.memory_space<vmem>> -> memref<128xf32, #tpu.memory_space<vmem>>
    %dma_wait3A_637 = arith.constant 384 : i32
    %dma_wait3A_638 = tpu.memref_slice %arg14[%dma_wait3A_637] : memref<512xi32, #tpu.memory_space<vmem>> -> memref<128xi32, #tpu.memory_space<vmem>>
    %dma_wait3A_639 = arith.constant 0 : i32
    %dma_wait3A_640 = tpu.memref_slice %arg11[%dma_wait3A_639] : memref<1000000xf32, #tpu.memory_space<hbm>> -> memref<1000000xf32, #tpu.memory_space<hbm>>
    tpu.wait_indirect_dma semaphore(%arg16 : memref<!tpu.dma_semaphore, #tpu.memory_space<semaphore_mem>>) src(%dma_wait3A_640 : memref<1000000xf32, #tpu.memory_space<hbm>>) dst(%dma_wait3A_636 : memref<128xf32, #tpu.memory_space<vmem>>)
    %mul3A_641 = arith.constant 512 : i32
    %mul3A_642 = arith.muli %add3A, %mul3A_641 : i32
    "tpu.region"() ({
      %run_scoped3A = tpu.sem_alloc : memref<!tpu.dma_semaphore, #tpu.memory_space<semaphore_mem>>
      %dma_start3A_643 = arith.constant 0 : i32
      %dma_start3A_644 = tpu.memref_slice %arg13[%dma_start3A_643, %mul3A_642] : memref<10x16384xf32, #tpu.memory_space<hbm>> -> memref<10x512xf32, #tpu.memory_space<hbm>>
      %dma_start3A_645 = arith.constant 0 : i32
      %dma_start3A_646 = tpu.memref_slice %arg13[%dma_start3A_645, %mul3A_642] : memref<10x16384xf32, #tpu.memory_space<hbm>> -> memref<10x512xf32, #tpu.memory_space<hbm>>
      tpu.enqueue_dma source(%arg15 : memref<10x512xf32, #tpu.memory_space<vmem>>) target(%dma_start3A_646 : memref<10x512xf32, #tpu.memory_space<hbm>>) target_semaphore(%run_scoped3A : memref<!tpu.dma_semaphore, #tpu.memory_space<semaphore_mem>>)
      %dma_wait3A_647 = arith.constant 0 : i32
      %dma_wait3A_648 = tpu.memref_slice %arg13[%dma_wait3A_647, %mul3A_642] : memref<10x16384xf32, #tpu.memory_space<hbm>> -> memref<10x512xf32, #tpu.memory_space<hbm>>
      %dma_wait3A_649 = arith.constant 0 : i32
      %dma_wait3A_650 = tpu.memref_slice %arg13[%dma_wait3A_649, %mul3A_642] : memref<10x16384xf32, #tpu.memory_space<hbm>> -> memref<10x512xf32, #tpu.memory_space<hbm>>
      tpu.wait_dma2 semaphore(%run_scoped3A : memref<!tpu.dma_semaphore, #tpu.memory_space<semaphore_mem>>) src(%arg15 : memref<10x512xf32, #tpu.memory_space<vmem>>) dst(%dma_wait3A_650 : memref<10x512xf32, #tpu.memory_space<hbm>>)
      tpu.yield
    }) : () -> ()
    return
  }
}

module attributes {stable_mosaic.version = 14 : i64} {
  func.func @body(%arg0: i32, %arg1: memref<64x32768xf32, #tpu.memory_space<vmem>>, %arg2: memref<10x64xf32, #tpu.memory_space<vmem>>, %arg3: memref<10xf32, #tpu.memory_space<smem>>, %arg4: memref<32768xf32, #tpu.memory_space<vmem>>, %arg5: memref<32768xf32, #tpu.memory_space<vmem>>, %arg6: memref<32768xf32, #tpu.memory_space<vmem>>, %arg7: memref<32768xf32, #tpu.memory_space<vmem>>, %arg8: memref<32768xf32, #tpu.memory_space<vmem>>, %arg9: memref<32768xf32, #tpu.memory_space<vmem>>, %arg10: memref<32768xf32, #tpu.memory_space<vmem>>, %arg11: memref<32768xf32, #tpu.memory_space<vmem>>, %arg12: memref<32768xf32, #tpu.memory_space<vmem>>, %arg13: memref<32768xf32, #tpu.memory_space<vmem>>) attributes {dimension_semantics = [#tpu.dimension_semantics<arbitrary>], iteration_bounds = array<i64: 31>, scalar_prefetch = 0 : i64, scratch_operands = 0 : i64, tpu.core_type = #tpu.core_type<tc>, window_params = [{transform_indices = @transform_0, window_bounds = array<i64: 64, 32768>}, {pipeline_mode = #tpu.pipeline_mode<synchronous>, transform_indices = @transform_1, window_bounds = array<i64: 10, 64>}, {transform_indices = @transform_2, window_bounds = array<i64: 10>}, {transform_indices = @transform_3, window_bounds = array<i64: 32768>}, {transform_indices = @transform_4, window_bounds = array<i64: 32768>}, {transform_indices = @transform_5, window_bounds = array<i64: 32768>}, {transform_indices = @transform_6, window_bounds = array<i64: 32768>}, {transform_indices = @transform_7, window_bounds = array<i64: 32768>}, {transform_indices = @transform_8, window_bounds = array<i64: 32768>}, {transform_indices = @transform_9, window_bounds = array<i64: 32768>}, {transform_indices = @transform_10, window_bounds = array<i64: 32768>}, {transform_indices = @transform_11, window_bounds = array<i64: 32768>}, {transform_indices = @transform_12, window_bounds = array<i64: 32768>}]} {
    %get3A = arith.constant 0 : index
    %get3A_0 = arith.constant 0 : index
    %get3A_1 = vector.load %arg2[%get3A, %get3A_0] : memref<10x64xf32, #tpu.memory_space<vmem>>, vector<10x64xf32>
    %get3A_2 = arith.constant 0 : index
    %get3A_3 = arith.constant 0 : index
    %get3A_4 = vector.load %arg1[%get3A_2, %get3A_3] : memref<64x32768xf32, #tpu.memory_space<vmem>>, vector<64x32768xf32>
    %dot_general3A = arith.constant dense<0.000000e+00> : vector<10x32768xf32>
    %dot_general3A_5 = tpu.matmul %get3A_1, %get3A_4, %dot_general3A {dimension_numbers = #tpu.dot_dimension_numbers<[1], [0], [0], [1], [0, 0, 1, 1], [], []>, transpose_lhs_hint = false} : vector<10x64xf32>, vector<64x32768xf32>, vector<10x32768xf32> -> vector<10x32768xf32>
    %slice3A = vector.extract_strided_slice %dot_general3A_5 {offsets = [0, 0], sizes = [1, 32768], strides = [1, 1]} : vector<10x32768xf32> to vector<1x32768xf32>
    %squeeze3A = vector.shape_cast %slice3A : vector<1x32768xf32> to vector<32768xf32>
    %get3A_6 = arith.constant 0 : index
    %get3A_7 = memref.load %arg3[%get3A_6] : memref<10xf32, #tpu.memory_space<smem>>
    %add3A = vector.broadcast %get3A_7 : f32 to vector<32768xf32>
    %add3A_8 = arith.addf %squeeze3A, %add3A : vector<32768xf32>
    %swap3A = arith.constant 0 : index
    %swap3A_9 = vector.load %arg4[%swap3A] : memref<32768xf32, #tpu.memory_space<vmem>>, vector<32768xf32>
    tpu.vector_store %arg4[%swap3A], %add3A_8 {strides = array<i32>} : memref<32768xf32, #tpu.memory_space<vmem>>, vector<32768xf32>,
    %slice3A_10 = vector.extract_strided_slice %dot_general3A_5 {offsets = [1, 0], sizes = [1, 32768], strides = [1, 1]} : vector<10x32768xf32> to vector<1x32768xf32>
    %squeeze3A_11 = vector.shape_cast %slice3A_10 : vector<1x32768xf32> to vector<32768xf32>
    %get3A_12 = arith.constant 1 : index
    %get3A_13 = memref.load %arg3[%get3A_12] : memref<10xf32, #tpu.memory_space<smem>>
    %add3A_14 = vector.broadcast %get3A_13 : f32 to vector<32768xf32>
    %add3A_15 = arith.addf %squeeze3A_11, %add3A_14 : vector<32768xf32>
    %swap3A_16 = arith.constant 0 : index
    %swap3A_17 = vector.load %arg5[%swap3A_16] : memref<32768xf32, #tpu.memory_space<vmem>>, vector<32768xf32>
    tpu.vector_store %arg5[%swap3A_16], %add3A_15 {strides = array<i32>} : memref<32768xf32, #tpu.memory_space<vmem>>, vector<32768xf32>,
    %slice3A_18 = vector.extract_strided_slice %dot_general3A_5 {offsets = [2, 0], sizes = [1, 32768], strides = [1, 1]} : vector<10x32768xf32> to vector<1x32768xf32>
    %squeeze3A_19 = vector.shape_cast %slice3A_18 : vector<1x32768xf32> to vector<32768xf32>
    %get3A_20 = arith.constant 2 : index
    %get3A_21 = memref.load %arg3[%get3A_20] : memref<10xf32, #tpu.memory_space<smem>>
    %add3A_22 = vector.broadcast %get3A_21 : f32 to vector<32768xf32>
    %add3A_23 = arith.addf %squeeze3A_19, %add3A_22 : vector<32768xf32>
    %swap3A_24 = arith.constant 0 : index
    %swap3A_25 = vector.load %arg6[%swap3A_24] : memref<32768xf32, #tpu.memory_space<vmem>>, vector<32768xf32>
    tpu.vector_store %arg6[%swap3A_24], %add3A_23 {strides = array<i32>} : memref<32768xf32, #tpu.memory_space<vmem>>, vector<32768xf32>,
    %slice3A_26 = vector.extract_strided_slice %dot_general3A_5 {offsets = [3, 0], sizes = [1, 32768], strides = [1, 1]} : vector<10x32768xf32> to vector<1x32768xf32>
    %squeeze3A_27 = vector.shape_cast %slice3A_26 : vector<1x32768xf32> to vector<32768xf32>
    %get3A_28 = arith.constant 3 : index
    %get3A_29 = memref.load %arg3[%get3A_28] : memref<10xf32, #tpu.memory_space<smem>>
    %add3A_30 = vector.broadcast %get3A_29 : f32 to vector<32768xf32>
    %add3A_31 = arith.addf %squeeze3A_27, %add3A_30 : vector<32768xf32>
    %swap3A_32 = arith.constant 0 : index
    %swap3A_33 = vector.load %arg7[%swap3A_32] : memref<32768xf32, #tpu.memory_space<vmem>>, vector<32768xf32>
    tpu.vector_store %arg7[%swap3A_32], %add3A_31 {strides = array<i32>} : memref<32768xf32, #tpu.memory_space<vmem>>, vector<32768xf32>,
    %slice3A_34 = vector.extract_strided_slice %dot_general3A_5 {offsets = [4, 0], sizes = [1, 32768], strides = [1, 1]} : vector<10x32768xf32> to vector<1x32768xf32>
    %squeeze3A_35 = vector.shape_cast %slice3A_34 : vector<1x32768xf32> to vector<32768xf32>
    %get3A_36 = arith.constant 4 : index
    %get3A_37 = memref.load %arg3[%get3A_36] : memref<10xf32, #tpu.memory_space<smem>>
    %add3A_38 = vector.broadcast %get3A_37 : f32 to vector<32768xf32>
    %add3A_39 = arith.addf %squeeze3A_35, %add3A_38 : vector<32768xf32>
    %swap3A_40 = arith.constant 0 : index
    %swap3A_41 = vector.load %arg8[%swap3A_40] : memref<32768xf32, #tpu.memory_space<vmem>>, vector<32768xf32>
    tpu.vector_store %arg8[%swap3A_40], %add3A_39 {strides = array<i32>} : memref<32768xf32, #tpu.memory_space<vmem>>, vector<32768xf32>,
    %slice3A_42 = vector.extract_strided_slice %dot_general3A_5 {offsets = [5, 0], sizes = [1, 32768], strides = [1, 1]} : vector<10x32768xf32> to vector<1x32768xf32>
    %squeeze3A_43 = vector.shape_cast %slice3A_42 : vector<1x32768xf32> to vector<32768xf32>
    %get3A_44 = arith.constant 5 : index
    %get3A_45 = memref.load %arg3[%get3A_44] : memref<10xf32, #tpu.memory_space<smem>>
    %add3A_46 = vector.broadcast %get3A_45 : f32 to vector<32768xf32>
    %add3A_47 = arith.addf %squeeze3A_43, %add3A_46 : vector<32768xf32>
    %swap3A_48 = arith.constant 0 : index
    %swap3A_49 = vector.load %arg9[%swap3A_48] : memref<32768xf32, #tpu.memory_space<vmem>>, vector<32768xf32>
    tpu.vector_store %arg9[%swap3A_48], %add3A_47 {strides = array<i32>} : memref<32768xf32, #tpu.memory_space<vmem>>, vector<32768xf32>,
    %slice3A_50 = vector.extract_strided_slice %dot_general3A_5 {offsets = [6, 0], sizes = [1, 32768], strides = [1, 1]} : vector<10x32768xf32> to vector<1x32768xf32>
    %squeeze3A_51 = vector.shape_cast %slice3A_50 : vector<1x32768xf32> to vector<32768xf32>
    %get3A_52 = arith.constant 6 : index
    %get3A_53 = memref.load %arg3[%get3A_52] : memref<10xf32, #tpu.memory_space<smem>>
    %add3A_54 = vector.broadcast %get3A_53 : f32 to vector<32768xf32>
    %add3A_55 = arith.addf %squeeze3A_51, %add3A_54 : vector<32768xf32>
    %swap3A_56 = arith.constant 0 : index
    %swap3A_57 = vector.load %arg10[%swap3A_56] : memref<32768xf32, #tpu.memory_space<vmem>>, vector<32768xf32>
    tpu.vector_store %arg10[%swap3A_56], %add3A_55 {strides = array<i32>} : memref<32768xf32, #tpu.memory_space<vmem>>, vector<32768xf32>,
    %slice3A_58 = vector.extract_strided_slice %dot_general3A_5 {offsets = [7, 0], sizes = [1, 32768], strides = [1, 1]} : vector<10x32768xf32> to vector<1x32768xf32>
    %squeeze3A_59 = vector.shape_cast %slice3A_58 : vector<1x32768xf32> to vector<32768xf32>
    %get3A_60 = arith.constant 7 : index
    %get3A_61 = memref.load %arg3[%get3A_60] : memref<10xf32, #tpu.memory_space<smem>>
    %add3A_62 = vector.broadcast %get3A_61 : f32 to vector<32768xf32>
    %add3A_63 = arith.addf %squeeze3A_59, %add3A_62 : vector<32768xf32>
    %swap3A_64 = arith.constant 0 : index
    %swap3A_65 = vector.load %arg11[%swap3A_64] : memref<32768xf32, #tpu.memory_space<vmem>>, vector<32768xf32>
    tpu.vector_store %arg11[%swap3A_64], %add3A_63 {strides = array<i32>} : memref<32768xf32, #tpu.memory_space<vmem>>, vector<32768xf32>,
    %slice3A_66 = vector.extract_strided_slice %dot_general3A_5 {offsets = [8, 0], sizes = [1, 32768], strides = [1, 1]} : vector<10x32768xf32> to vector<1x32768xf32>
    %squeeze3A_67 = vector.shape_cast %slice3A_66 : vector<1x32768xf32> to vector<32768xf32>
    %get3A_68 = arith.constant 8 : index
    %get3A_69 = memref.load %arg3[%get3A_68] : memref<10xf32, #tpu.memory_space<smem>>
    %add3A_70 = vector.broadcast %get3A_69 : f32 to vector<32768xf32>
    %add3A_71 = arith.addf %squeeze3A_67, %add3A_70 : vector<32768xf32>
    %swap3A_72 = arith.constant 0 : index
    %swap3A_73 = vector.load %arg12[%swap3A_72] : memref<32768xf32, #tpu.memory_space<vmem>>, vector<32768xf32>
    tpu.vector_store %arg12[%swap3A_72], %add3A_71 {strides = array<i32>} : memref<32768xf32, #tpu.memory_space<vmem>>, vector<32768xf32>,
    %slice3A_74 = vector.extract_strided_slice %dot_general3A_5 {offsets = [9, 0], sizes = [1, 32768], strides = [1, 1]} : vector<10x32768xf32> to vector<1x32768xf32>
    %squeeze3A_75 = vector.shape_cast %slice3A_74 : vector<1x32768xf32> to vector<32768xf32>
    %get3A_76 = arith.constant 9 : index
    %get3A_77 = memref.load %arg3[%get3A_76] : memref<10xf32, #tpu.memory_space<smem>>
    %add3A_78 = vector.broadcast %get3A_77 : f32 to vector<32768xf32>
    %add3A_79 = arith.addf %squeeze3A_75, %add3A_78 : vector<32768xf32>
    %swap3A_80 = arith.constant 0 : index
    %swap3A_81 = vector.load %arg13[%swap3A_80] : memref<32768xf32, #tpu.memory_space<vmem>>, vector<32768xf32>
    tpu.vector_store %arg13[%swap3A_80], %add3A_79 {strides = array<i32>} : memref<32768xf32, #tpu.memory_space<vmem>>, vector<32768xf32>,
    return
  }
  func.func @transform_0(%arg0: i32) -> (i32, i32) {
    %c0_i32 = arith.constant 0 : i32
    %c0_i32_0 = arith.constant 0 : i32
    return %c0_i32, %arg0 : i32, i32
  }
  func.func @transform_1(%arg0: i32) -> (i32, i32) {
    %c0_i32 = arith.constant 0 : i32
    %c0_i32_0 = arith.constant 0 : i32
    %c0_i32_1 = arith.constant 0 : i32
    return %c0_i32, %c0_i32_0 : i32, i32
  }
  func.func @transform_2(%arg0: i32) -> i32 {
    %c0_i32 = arith.constant 0 : i32
    %c0_i32_0 = arith.constant 0 : i32
    return %c0_i32 : i32
  }
  func.func @transform_3(%arg0: i32) -> i32 {
    %c0_i32 = arith.constant 0 : i32
    return %arg0 : i32
  }
  func.func @transform_4(%arg0: i32) -> i32 {
    %c0_i32 = arith.constant 0 : i32
    return %arg0 : i32
  }
  func.func @transform_5(%arg0: i32) -> i32 {
    %c0_i32 = arith.constant 0 : i32
    return %arg0 : i32
  }
  func.func @transform_6(%arg0: i32) -> i32 {
    %c0_i32 = arith.constant 0 : i32
    return %arg0 : i32
  }
  func.func @transform_7(%arg0: i32) -> i32 {
    %c0_i32 = arith.constant 0 : i32
    return %arg0 : i32
  }
  func.func @transform_8(%arg0: i32) -> i32 {
    %c0_i32 = arith.constant 0 : i32
    return %arg0 : i32
  }
  func.func @transform_9(%arg0: i32) -> i32 {
    %c0_i32 = arith.constant 0 : i32
    return %arg0 : i32
  }
  func.func @transform_10(%arg0: i32) -> i32 {
    %c0_i32 = arith.constant 0 : i32
    return %arg0 : i32
  }
  func.func @transform_11(%arg0: i32) -> i32 {
    %c0_i32 = arith.constant 0 : i32
    return %arg0 : i32
  }
  func.func @transform_12(%arg0: i32) -> i32 {
    %c0_i32 = arith.constant 0 : i32
    return %arg0 : i32
  }
}

</mosaic_0001>

<sc_bundles>
// kernel: kernel.4.cloned.1.call-start
scs
__scs_entry_jumppad:
0x0: {  	(pc) =	sbr.rel $0x88, $3  }
0x1: {  	(tag) =	ssettag $0x0;
	lr =	simm.s32 $0x1  }
0x2: {  	[smem:$0x3F9D] =	sst lr;
	_ =	strace $0xD0000000  }
0x3: {  	_ = 	snop  }
0x4: {  	_ = 	snop  }
0x5: {  	_ = 	snop  }
0x6: {  	_ = 	snop  }
0x7: {  	_ = 	snop  }
__scs_overlays_trampoline_lowered:
0x8: {  	[smem:$0x3FAC] =	sst s0  }
0x9: {  	[smem:$0x3FAD] =	sst s1  }
0xa: {  	[smem:$0x3FAE] =	sst s2  }
0xb: {  	[smem:$0x3FAF] =	sst s3  }
0xc: {  	[smem:$0x3FB0] =	sst s4  }
0xd: {  	[smem:$0x3FB1] =	sst s5  }
0xe: {  	[smem:$0x3FB2] =	sst s6  }
0xf: {  	[smem:$0x3FB3] =	sst s7  }
0x10: {  	[smem:$0x3FB4] =	sst s8  }
0x11: {  	[smem:$0x3FB5] =	sst s9;
	s0 =	simm.s32 @!p0 $0x0  }
0x12: {  	s1 =	sld [smem:$0x3F9B];
	s0 =	simm.s32 @p0 $0x1  }
0x13: {  	[smem:$0x3FB6] =	sst s0;
	s0 =	simm.s32 @!p1 $0x0  }
0x14: {  	s2 =	sld [smem:$0x3F9A];
	s0 =	simm.s32 @p1 $0x1  }
0x15: {  	[smem:$0x3FB7] =	sst s0;
	s0 =	simm.s32 @!p2 $0x0  }
0x16: {  	s3 =	sld [smem:$0x3FDB];
	s0 =	simm.s32 @p2 $0x1  }
0x17: {  	s4 =	simm.s32 $0x1BF5;
	[smem:$0x3FB9] =	sst s0  }
0x18: {  	s0 =	sld [smem:$0x3F9C];
	_ =	swait.ge [sflag:s4], $0x0  }
0x19: {  	s7 =	sld [smem:$0x3F9D]  }
0x1a: {  	s8 =	sadd.s32 $0xFFFFE003, lr  }
0x1b: {  	s9 =	sadd.s32 $0xFFFFFEF7, lr;
	s5 =	simm.s32 $0xFFFFFFFF;
	p2 =	slt.u32 s8, $0xFFFFF086  }
0x1c: {  	p1 =	slt.u32 s9, $0xF7A;
	s5 =	simm.s32 @!p2 $0x0  }
0x1d: {  	s5 =	simm.s32 @p1 $0x1;
	p0 =	seq.s32 s7, s2  }
0x1e: {  	s7 =	smul.u32 @!p0 $0xF7A, s2;
	p2 =	seq.s32 @!p0 s5, $0x0  }
0x1f: {  	s9 =	smul.u32 $0xF7A, s1;
	s8 =	simm.s32 @!p0 $0x1BF5;
	p2 =	por !p2, p0  }
0x20: {  	[sflag:s8] =	ssyncset.s32 @!p0 $0xFFFFF086;
	s6 =	sadd.s32 @!p0 s3, s7;
	s7 =	simm.s32 @!p0 $0x108  }
0x21: {  	s3 =	sadd.s32 s3, s9;
	s6 =	sadd.s32 @!p0 $0x88, s6;
	s7 =	simm.s32 @p2 $0x1082  }
0x22: {  	[simem:s7], [sflag:s8] =	dma.local @!p0 [hbm:s6], $0xF7A  }
0x23: {  	s9 =	sor.u32 $0xD0000000, s2;
	s6 =	simm.s32 $0x108;
	_ =	swait.ge @!p0 [sflag:s8], $0x0  }
0x24: {  	s3 =	sadd.s32 $0x88, s3;
	s6 =	simm.s32 @!p1 $0x1082;
	[sflag:s4] =	ssyncset.s32 $0xFFFFF086  }
0x25: {  	[simem:s6], [sflag:s4] =	dma.local [hbm:s3], $0xF7A  }
0x26: {  	[smem:$0x3F9D] =	sst s1;
	(tag) =	ssettag s2;
	_ =	strace s9  }
0x27: {  	s1 =	sld [smem:$0x3FAD]  }
0x28: {  	s2 =	sld [smem:$0x3FAE]  }
0x29: {  	s4 =	sld [smem:$0x3FB0]  }
0x2a: {  	p0 =	seq.s32 s5, $0x0;
	s5 =	sld [smem:$0x3FB1]  }
0x2b: {  	s6 =	sld [smem:$0x3FB2]  }
0x2c: {  	s7 =	sld [smem:$0x3FB3]  }
0x2d: {  	s3 =	simm.s32 $0x108;
	s8 =	sld [smem:$0x3FB4]  }
0x2e: {  	s3 =	simm.s32 @!p0 $0x1082;
	s9 =	sld [smem:$0x3FB5]  }
0x2f: {  	lr =	sadd.s32 s0, s3;
	s0 =	sld [smem:$0x3FAC]  }
0x30: {  	s3 =	sld [smem:$0x3FAF]  }
0x31: {  	[smem:$0x3FB8] =	sst s10  }
0x32: {  	s10 =	sld [smem:$0x3FB6];
	_ =	sdelay $0x3  }
0x33: {  	p0 =	seq.s32 s10, $0x1;
	s10 =	sld [smem:$0x3FB8];
	_ =	sdelay $0x3  }
0x34: {  	[smem:$0x3FB8] =	sst s10  }
0x35: {  	s10 =	sld [smem:$0x3FB7];
	_ =	sdelay $0x3  }
0x36: {  	p1 =	seq.s32 s10, $0x1;
	s10 =	sld [smem:$0x3FB8];
	_ =	sdelay $0x3  }
0x37: {  	[smem:$0x3FB8] =	sst s10  }
0x38: {  	s10 =	sld [smem:$0x3FB9]  }
0x39: {  	_ = 	snop;
	(pc) =	sbr.ind lr, $3  }
0x3a: {  	_ = 	snop  }
0x3b: {  	_ = 	snop  }
0x3c: {  	p2 =	seq.s32 s10, $0x1;
	s10 =	sld [smem:$0x3FB8]  }
0x3d: {  	_ =	shalt  }
0x3e: {  	_ =	shalt  }
0x3f: {  	_ =	shalt  }
0x40: {  	_ =	shalt  }
0x41: {  	_ =	shalt  }
0x42: {  	_ =	shalt  }
0x43: {  	_ =	shalt  }
0x44: {  	_ =	shalt  }
0x45: {  	_ =	shalt  }
0x46: {  	_ =	shalt  }
0x47: {  	_ =	shalt  }
0x48: {  	_ =	shalt  }
0x49: {  	_ =	shalt  }
0x4a: {  	_ =	shalt  }
0x4b: {  	_ =	shalt  }
0x4c: {  	_ =	shalt  }
0x4d: {  	_ =	shalt  }
0x4e: {  	_ =	shalt  }
0x4f: {  	_ =	shalt  }
0x50: {  	_ =	shalt  }
0x51: {  	_ =	shalt  }
0x52: {  	_ =	shalt  }
0x53: {  	_ =	shalt  }
0x54: {  	_ =	shalt  }
0x55: {  	_ =	shalt  }
0x56: {  	_ =	shalt  }
0x57: {  	_ =	shalt  }
0x58: {  	_ =	shalt  }
0x59: {  	_ =	shalt  }
0x5a: {  	_ =	shalt  }
0x5b: {  	_ =	shalt  }
0x5c: {  	_ =	shalt  }
0x5d: {  	_ =	shalt  }
0x5e: {  	_ =	shalt  }
0x5f: {  	_ =	shalt  }
0x60: {  	_ =	shalt  }
0x61: {  	_ =	shalt  }
0x62: {  	_ =	shalt  }
0x63: {  	_ =	shalt  }
0x64: {  	_ =	shalt  }
0x65: {  	_ =	shalt  }
0x66: {  	_ =	shalt  }
0x67: {  	_ =	shalt  }
0x68: {  	_ =	shalt  }
0x69: {  	_ =	shalt  }
0x6a: {  	_ =	shalt  }
0x6b: {  	_ =	shalt  }
0x6c: {  	_ =	shalt  }
0x6d: {  	_ =	shalt  }
0x6e: {  	_ =	shalt  }
0x6f: {  	_ =	shalt  }
0x70: {  	_ =	shalt  }
0x71: {  	_ =	shalt  }
0x72: {  	_ =	shalt  }
0x73: {  	_ =	shalt  }
0x74: {  	_ =	shalt  }
0x75: {  	_ =	shalt  }
0x76: {  	_ =	shalt  }
0x77: {  	_ =	shalt  }
0x78: {  	_ =	shalt  }
0x79: {  	_ =	shalt  }
0x7a: {  	_ =	shalt  }
0x7b: {  	_ =	shalt  }
0x7c: {  	_ =	shalt  }
0x7d: {  	_ =	shalt  }
0x7e: {  	_ =	shalt  }
0x7f: {  	_ =	shalt  }
0x80: {  	_ =	shalt  }
0x81: {  	_ =	shalt  }
0x82: {  	_ =	shalt  }
0x83: {  	_ =	shalt  }
0x84: {  	_ =	shalt  }
0x85: {  	_ =	shalt  }
0x86: {  	_ =	shalt  }
0x87: {  	_ =	shalt  }
.Lfunc_end0:
.L_simem_size_0:
called_computation_lowered:
.L_overlay_start_0:
0x88: {  	s2 =	sld [smem:$0x3FD9]  }
0x89: {  	s3 =	sld [smem:$0x3FFE];
	_ =	sdelay $0x1  }
0x8a: {  	s1 =	srdreg.scid  }
0x8b: {  	s0 =	sand.u32 $0x1, s1  }
0x8c: {  	s17 =	sshll.u32 s0, $0xA;
	s2 =	sadd.s32 s3, s2  }
0x8d: {  	s2 =	sadd.s32 s2, s17  }
0x8e: {  	[smem:$0x3FC4] =	sst s2  }
0x8f: {  	_ = 	snop  }
0x90: {  	s2 =	sld [smem:$0x3FC9]  }
0x91: {  	s18 =	sld [smem:$0x3FD0];
	(tm) =	ssettm $0x1  }
0x92: {  	s4 =	sld [smem:$0x3FFB];
	_ =	sdelay $0x3  }
0x93: {  	_ =	strace s4  }
0x94: {  	s4 =	sld [smem:$0x3FFC];
	_ =	sdelay $0x3  }
0x95: {  	_ =	strace s4  }
0x96: {  	s4 =	sld [smem:$0x3FFD];
	_ =	sdelay $0x3  }
0x97: {  	_ =	strace s4  }
0x98: {  	_ =	strace $0x8FFFFFFF  }
0x99: {  	s19 =	sld [smem:$0x3FDB];
	_ =	sdelay $0x1  }
0x9a: {  	s5 =	simm.s32 $_scs_section_size  }
0x9b: {  	s6 =	simm.s32 $_size__tile_overlayer_lowered;
	s7 =	simm.s32 $_tile_overlayer_lowered  }
0x9c: {  	s22 =	simm.s32 $0x1BFF;
	s21 =	sshll.u32 s7, $0x1;
	s4 =	sadd.s32 s5, s19  }
0x9d: {  	s8 =	simm.s32 $0x0;
	s20 =	sshll.u32 s6, $0x1;
	s6 =	sadd.s32 s21, s4  }
0x9e: {  	[timem:s8], [sflag:s22] =	dma.local [hbm:s6], s20  }
0x9f: {  	_ =	swait.ge [sflag:s22], s20  }
0xa0: {  	s5 =	ssub.s32 $0x0, s20;
	[sflag:s22] =	ssyncset.done $0x0  }
0xa1: {  	[sflag:s22] =	ssyncadd.s32 s5;
	_ =	sdelay $0x1  }
0xa2: {  	s23 =	simm.s32 $0x1B8B  }
0xa3: {  	_ =	swait.ge [sflag:s23], $0x1  }
0xa4: {  	[sflag:s23] =	ssyncset.done $0x0  }
0xa5: {  	s25 =	simm.s32 $0x1B8E;
	s24 =	sld [smem:$0x3FFE];
	[sflag:s23] =	ssyncadd.s32 $0xFFFFFFFF  }
0xa6: {  	s26 =	simm.s32 $execute0_lowered;
	[smem:$0x3FD2] =	sst s25  }
0xa7: {  	s6 =	sshll.u32 s26, $0x1;
	_ =	strace $0x80000046;
	[dreg:$0x1] =	wrdreg $0xFFFFFFFF  }
0xa8: {  	s28 =	simm.s32 $_size_execute0_lowered;
	s4 =	sadd.s32 s4, s6;
	[dreg:$0x0] =	wrdreg $0x0  }
0xa9: {  	s6 =	sshll.u32 s28, $0x1;
	[dreg:$0x2] =	wrdreg s4  }
0xaa: {  	[dreg:$0x3] =	wrdreg s6  }
0xab: {  	[dreg:$0x4] =	wrdreg $0xC0  }
0xac: {  	_ =	task [dreg:s8], $0x5FFFF  }
0xad: {  	[dreg:$0x1] =	wrdreg $0xFFFFFFFF  }
0xae: {  	[dreg:$0x0] =	wrdreg $0x60  }
0xaf: {  	[dreg:$0x2] =	wrdreg s24  }
0xb0: {  	[dreg:$0x3] =	wrdreg s2  }
0xb1: {  	[dreg:$0x4] =	wrdreg s18  }
0xb2: {  	[dreg:$0x5] =	wrdreg $0x9  }
0xb3: {  	_ =	task.clear_ibuf [dreg:s8], $0x6FFFF;
	_ =	strace $0x90000046  }
0xb4: {  	s29 =	simm.s32 $0x9;
	_ =	strace $0x80000048  }
0xb5: {  	_ =	swait.ge [sflag:s29], $0x1  }
0xb6: {  	[sflag:s29] =	ssyncadd.s32 $0xFFFFFFFF  }
0xb7: {  	_ =	strace $0x90000048  }
0xb8: {  	_ =	sfence  }
0xb9: {  	s30 =	sld [smem:$0x0];
	_ =	sdelay $0x2  }
0xba: {  	s31 =	sshll.u32 s1, $0xD;
	s1 =	sshrl.u32 s1, $0x2  }
0xbb: {  	s3 =	sand.u32 $0x4000, s31;
	s1 =	sadd.s32 s1, s30  }
0xbc: {  	s0 =	sor.u32 s3, s0;
	s1 =	sshll.u32 s1, $0x11  }
0xbd: {  	s0 =	sor.u32 s1, s0  }
0xbe: {  	s0 =	sadd.s32 $0x8F2B, s0  }
0xbf: {  	[sflag:s0] =	ssyncadd.remote.s32 $0x1  }
0xc0: {  	_ =	sfence.sel $0xFFFF  }
0xc1: {  	[dreg:$0x0] =	wrdreg $0xFFFFFFFF;
	(pc) =	sbr.abs _section_cstart, $3  }
0xc2: {  	[dreg:$0x1] =	wrdreg $0xFFFFFFFF  }
0xc3: {  	_ =	task.clear_ibuf [dreg:s8], $0x2FFFF;
	_ =	strace $0x9FFFFFFF  }
0xc4: {  	(tm) =	ssettm $0x7FFFFFFF  }
0xc5: {  	_ =	shalt  }
tec
execute0_lowered:
.L_overlay_start_1:
0x0: {  	(tag) =	ssettag $0x1  }
0x1: {  	s0 =	rddreg [dreg:$0x0]  }
0x2: {  	s2 =	rddreg [dreg:$0x1]  }
0x3: {  	s3 =	rddreg [dreg:$0x2];
	s7 =	simm.s32 $0x0  }
0x4: {  	s1 =	srdreg.scid;
	s8 =	simm.s32 $0x600;
	[smem:$0x7FF] =	sst s7  }
0x5: {  	s9 =	simm.s32 $0xA00;
	_ =	strace $0x80000047;
	[dreg:$0x6] =	wrdreg s8  }
0x6: {  	s6 =	stileid.u32;
	s10 =	simm.s32 $0xE00;
	[dreg:$0x7] =	wrdreg s9  }
0x7: {  	s11 =	simm.s32 $0x280;
	s12 =	simm.s32 $0x680;
	[dreg:$0x8] =	wrdreg s10  }
0x8: {  	s13 =	simm.s32 $0xA80;
	s14 =	simm.s32 $0xE80;
	[dreg:$0x9] =	wrdreg s11  }
0x9: {  	s15 =	simm.s32 $0x300;
	s16 =	simm.s32 $0x700;
	[dreg:$0xa] =	wrdreg s12  }
0xa: {  	s17 =	simm.s32 $0xB00;
	s18 =	simm.s32 $0xF00;
	[dreg:$0xb] =	wrdreg s13  }
0xb: {  	s21 =	simm.s32 $0x380;
	s22 =	simm.s32 $0x780;
	[dreg:$0xc] =	wrdreg s14  }
0xc: {  	s23 =	simm.s32 $0xB80;
	s24 =	simm.s32 $0xF80;
	[dreg:$0xd] =	wrdreg s15  }
0xd: {  	s25 =	simm.s32 $0x400;
	s26 =	simm.s32 $0x800;
	[dreg:$0xe] =	wrdreg s16  }
0xe: {  	s28 =	simm.s32 $0x1E00;
	p0 =	por $0x0, $0x0;
	[dreg:$0xf] =	wrdreg s17  }
0xf: {  	s29 =	simm.s32 $0x1280;
	s30 =	simm.s32 $0x1680;
	[dreg:$0x10] =	wrdreg s18  }
0x10: {  	s31 =	simm.s32 $0x1A80;
	s1 =	sand.u32 $0x1, s1;
	[dreg:$0x11] =	wrdreg s21  }
0x11: {  	s4 =	sshll.u32 s6, $0xA;
	s20 =	sadd.s32 $0x9A600, s0;
	[dreg:$0x12] =	wrdreg s22  }
0x12: {  	s19 =	sadd.s32 $0xB9000, s0;
	s5 =	sshll.u32 s1, $0x9;
	[dreg:$0x13] =	wrdreg s23  }
0x13: {  	s16 =	sadd.s32 $0xD7A00, s0;
	s14 =	sadd.s32 $0xF6400, s0;
	[dreg:$0x14] =	wrdreg s24  }
0x14: {  	s13 =	sadd.s32 $0x114E00, s0;
	s12 =	sadd.s32 $0x1400, s0;
	[dreg:$0x15] =	wrdreg s25  }
0x15: {  	s11 =	sadd.s32 $0x1FE00, s0;
	[dreg:$0x16] =	wrdreg s26;
	s17 =	simm.s32 $0xC80  }
0x16: {  	s10 =	sadd.s32 $0x3E800, s0;
	s18 =	simm.s32 $0x1080;
	[dreg:$0x1a] =	wrdreg s17  }
0x17: {  	s9 =	sadd.s32 $0x5D200, s0;
	s21 =	simm.s32 $0x500;
	[dreg:$0x1b] =	wrdreg s18  }
0x18: {  	s8 =	sadd.s32 $0x7BC00, s0;
	s22 =	simm.s32 $0x900;
	[dreg:$0x1c] =	wrdreg s21  }
0x19: {  	s1 =	ssub.s32 $0x2, s1;
	s23 =	simm.s32 $0xD00;
	[dreg:$0x1d] =	wrdreg s22  }
0x1a: {  	s24 =	simm.s32 $0x1100;
	s25 =	simm.s32 $0x580;
	[dreg:$0x1e] =	wrdreg s23  }
0x1b: {  	s26 =	simm.s32 $0x980;
	s4 =	sor.u32 s5, s4;
	[dreg:$0x1f] =	wrdreg s24  }
0x1c: {  	s15 =	sshrl.u32 s1, $0x1;
	s17 =	simm.s32 $0x100;
	[smem:$0x7FC] =	sst s25  }
0x1d: {  	s18 =	simm.s32 $0x180;
	[smem:$0x7FD] =	sst s26;
	s23 =	simm.s32 $0x1180  }
0x1e: {  	s24 =	simm.s32 $0x1200;
	s25 =	simm.s32 $0x1600;
	s26 =	simm.s32 $0x1A00  }
0x1f: {  	s22 =	simm.s32 $0x1E80;
	s5 =	sshrl.u32 s4, $0x3;
	s1 =	ssub.s32 s1, s15  }
0x20: {  	s21 =	simm.s32 $0x20000;
	s2 =	sadd.s32 s2, s5;
	s1 =	smax.u32 s1, $0x1  }
0x21: {  	s5 =	sadd.s32 s3, s4;
	[dreg:$0x4] =	wrdreg s2;
	p1 =	sne.s32 s1, $0x1  }
.Ltmp0:
0x22: {  	s3 =	simm.s32 $0xC00;
	[dreg:$0x5] =	wrdreg s5;
	(pc) =	sbr.rel @!p1 .LBB2_1-.Ltmp0, $4  }
0x23: {  	s15 =	simm.s32 $0x80;
	s4 =	simm.s32 $0x480;
	[dreg:$0x17] =	wrdreg s3  }
0x24: {  	[dreg:$0x18] =	wrdreg s4;
	s5 =	simm.s32 $0x880;
	s2 =	simm.s32 $0x2  }
0x25: {  	s3 =	simm.s32 $0x200;
	s4 =	simm.s32 $0x1000;
	[dreg:$0x19] =	wrdreg s5  }
0x26: {  	s1 =	sadd.s32 $0xFFFFFFFF, s1;
	s5 =	simm.s32 $0x1;
	s0 =	rddreg [dreg:$0x4]  }
0x27: {  	[tilespmem:s7], [sflag:$0x2] =	stream.linear.gather [hbm4b:s0+s7], $0x200, $0x38;
	[tilespmem:$0x2200] =	vst v63  }
0x28: {  	_ =	swait.ge [sflag:s2], $0x200  }
0x29: {  	[sflag:s2] =	ssyncset.done $0x0  }
0x2a: {  	[sflag:s2] =	ssyncadd.s32 $0xFFFFFE00  }
0x2b: {  	[tilespmem:s3], [sflag:$0x1] =	stream.indirect.gather [hbm4b:s20+s15], $0x1, s7, s15, $0xb8;
	[tilespmem:$0x2200] =	vst v63  }
0x2c: {  	s0 =	rddreg [dreg:$0x6]  }
0x2d: {  	[tilespmem:s0], [sflag:$0x1] =	stream.indirect.gather [hbm4b:s20+s15], $0x1, s15, s15, $0xb8;
	[tilespmem:$0x2200] =	vst v63  }
0x2e: {  	s6 =	smov.u32 s1;
	s1 =	rddreg [dreg:$0x7]  }
0x2f: {  	[tilespmem:s1], [sflag:$0x1] =	stream.indirect.gather [hbm4b:s20+s15], $0x1, s17, s15, $0xb8;
	[tilespmem:$0x2200] =	vst v63  }
0x30: {  	s0 =	rddreg [dreg:$0x8]  }
0x31: {  	[tilespmem:s0], [sflag:$0x1] =	stream.indirect.gather [hbm4b:s20+s15], $0x1, s18, s15, $0xb8;
	[tilespmem:$0x2200] =	vst v63  }
0x32: {  	s1 =	rddreg [dreg:$0x9]  }
0x33: {  	[tilespmem:s1], [sflag:$0x1] =	stream.indirect.gather [hbm4b:s19+s15], $0x1, s7, s15, $0xb8;
	[tilespmem:$0x2200] =	vst v63  }
0x34: {  	s0 =	rddreg [dreg:$0xa]  }
0x35: {  	[tilespmem:s0], [sflag:$0x1] =	stream.indirect.gather [hbm4b:s19+s15], $0x1, s15, s15, $0xb8;
	[tilespmem:$0x2200] =	vst v63  }
0x36: {  	s1 =	rddreg [dreg:$0xb]  }
0x37: {  	[tilespmem:s1], [sflag:$0x1] =	stream.indirect.gather [hbm4b:s19+s15], $0x1, s17, s15, $0xb8;
	[tilespmem:$0x2200] =	vst v63  }
0x38: {  	s0 =	rddreg [dreg:$0xc]  }
0x39: {  	[tilespmem:s0], [sflag:$0x1] =	stream.indirect.gather [hbm4b:s19+s15], $0x1, s18, s15, $0xb8;
	[tilespmem:$0x2200] =	vst v63  }
0x3a: {  	s1 =	rddreg [dreg:$0xd]  }
0x3b: {  	[tilespmem:s1], [sflag:$0x1] =	stream.indirect.gather [hbm4b:s16+s15], $0x1, s7, s15, $0xb8;
	[tilespmem:$0x2200] =	vst v63  }
0x3c: {  	s0 =	rddreg [dreg:$0xe]  }
0x3d: {  	[tilespmem:s0], [sflag:$0x1] =	stream.indirect.gather [hbm4b:s16+s15], $0x1, s15, s15, $0xb8;
	[tilespmem:$0x2200] =	vst v63  }
0x3e: {  	s1 =	rddreg [dreg:$0xf]  }
0x3f: {  	[tilespmem:s1], [sflag:$0x1] =	stream.indirect.gather [hbm4b:s16+s15], $0x1, s17, s15, $0xb8;
	[tilespmem:$0x2200] =	vst v63  }
0x40: {  	s0 =	rddreg [dreg:$0x10]  }
0x41: {  	[tilespmem:s0], [sflag:$0x1] =	stream.indirect.gather [hbm4b:s16+s15], $0x1, s18, s15, $0xb8;
	[tilespmem:$0x2200] =	vst v63  }
0x42: {  	s1 =	rddreg [dreg:$0x11]  }
0x43: {  	[tilespmem:s1], [sflag:$0x1] =	stream.indirect.gather [hbm4b:s14+s15], $0x1, s7, s15, $0xb8;
	[tilespmem:$0x2200] =	vst v63  }
0x44: {  	s0 =	rddreg [dreg:$0x12]  }
0x45: {  	[tilespmem:s0], [sflag:$0x1] =	stream.indirect.gather [hbm4b:s14+s15], $0x1, s15, s15, $0xb8;
	[tilespmem:$0x2200] =	vst v63  }
0x46: {  	s1 =	rddreg [dreg:$0x13]  }
0x47: {  	[tilespmem:s1], [sflag:$0x1] =	stream.indirect.gather [hbm4b:s14+s15], $0x1, s17, s15, $0xb8;
	[tilespmem:$0x2200] =	vst v63  }
0x48: {  	s0 =	rddreg [dreg:$0x14]  }
0x49: {  	[tilespmem:s0], [sflag:$0x1] =	stream.indirect.gather [hbm4b:s14+s15], $0x1, s18, s15, $0xb8;
	[tilespmem:$0x2200] =	vst v63  }
0x4a: {  	s1 =	rddreg [dreg:$0x15]  }
0x4b: {  	[tilespmem:s1], [sflag:$0x1] =	stream.indirect.gather [hbm4b:s13+s15], $0x1, s7, s15, $0xb8;
	[tilespmem:$0x2200] =	vst v63  }
0x4c: {  	s0 =	rddreg [dreg:$0x16]  }
0x4d: {  	[tilespmem:s0], [sflag:$0x1] =	stream.indirect.gather [hbm4b:s13+s15], $0x1, s15, s15, $0xb8;
	[tilespmem:$0x2200] =	vst v63  }
0x4e: {  	s1 =	rddreg [dreg:$0x17]  }
0x4f: {  	[tilespmem:s1], [sflag:$0x1] =	stream.indirect.gather [hbm4b:s13+s15], $0x1, s17, s15, $0xb8;
	[tilespmem:$0x2200] =	vst v63  }
0x50: {  	s0 =	rddreg [dreg:$0x18]  }
0x51: {  	[tilespmem:s4], [sflag:$0x1] =	stream.indirect.gather [hbm4b:s13+s15], $0x1, s18, s15, $0xb8;
	[tilespmem:$0x2200] =	vst v63  }
0x52: {  	s1 =	rddreg [dreg:$0x19]  }
0x53: {  	[tilespmem:s0], [sflag:$0x1] =	stream.indirect.gather [hbm4b:s12+s15], $0x1, s7, s15, $0xb8;
	[tilespmem:$0x2200] =	vst v63  }
0x54: {  	s0 =	rddreg [dreg:$0x1a]  }
0x55: {  	[tilespmem:s1], [sflag:$0x1] =	stream.indirect.gather [hbm4b:s12+s15], $0x1, s15, s15, $0xb8;
	[tilespmem:$0x2200] =	vst v63  }
0x56: {  	s1 =	rddreg [dreg:$0x1b]  }
0x57: {  	[tilespmem:s0], [sflag:$0x1] =	stream.indirect.gather [hbm4b:s12+s15], $0x1, s17, s15, $0xb8;
	[tilespmem:$0x2200] =	vst v63  }
0x58: {  	s0 =	rddreg [dreg:$0x1c]  }
0x59: {  	[tilespmem:s1], [sflag:$0x1] =	stream.indirect.gather [hbm4b:s12+s15], $0x1, s18, s15, $0xb8;
	[tilespmem:$0x2200] =	vst v63  }
0x5a: {  	s1 =	rddreg [dreg:$0x1d]  }
0x5b: {  	[tilespmem:s0], [sflag:$0x1] =	stream.indirect.gather [hbm4b:s11+s15], $0x1, s7, s15, $0xb8;
	[tilespmem:$0x2200] =	vst v63  }
0x5c: {  	s0 =	rddreg [dreg:$0x1e]  }
0x5d: {  	[tilespmem:s1], [sflag:$0x1] =	stream.indirect.gather [hbm4b:s11+s15], $0x1, s15, s15, $0xb8;
	[tilespmem:$0x2200] =	vst v63  }
0x5e: {  	s1 =	rddreg [dreg:$0x1f]  }
0x5f: {  	[tilespmem:s0], [sflag:$0x1] =	stream.indirect.gather [hbm4b:s11+s15], $0x1, s17, s15, $0xb8;
	[tilespmem:$0x2200] =	vst v63  }
0x60: {  	s0 =	sld [smem:$0x7FC]  }
0x61: {  	[tilespmem:s1], [sflag:$0x1] =	stream.indirect.gather [hbm4b:s11+s15], $0x1, s18, s15, $0xb8;
	[tilespmem:$0x2200] =	vst v63  }
0x62: {  	s1 =	sld [smem:$0x7FD]  }
0x63: {  	[tilespmem:s0], [sflag:$0x1] =	stream.indirect.gather [hbm4b:s10+s15], $0x1, s7, s15, $0xb8;
	[tilespmem:$0x2200] =	vst v63  }
0x64: {  	_ = 	snop  }
0x65: {  	[tilespmem:s1], [sflag:$0x1] =	stream.indirect.gather [hbm4b:s10+s15], $0x1, s15, s15, $0xb8;
	[tilespmem:$0x2200] =	vst v63  }
0x66: {  	s1 =	simm.s32 $0xD80  }
0x67: {  	[tilespmem:s1], [sflag:$0x1] =	stream.indirect.gather [hbm4b:s10+s15], $0x1, s17, s15, $0xb8;
	[tilespmem:$0x2200] =	vst v63  }
0x68: {  	_ = 	snop  }
0x69: {  	[tilespmem:s23], [sflag:$0x1] =	stream.indirect.gather [hbm4b:s10+s15], $0x1, s18, s15, $0xb8;
	[tilespmem:$0x2200] =	vst v63  }
0x6a: {  	_ = 	snop  }
0x6b: {  	[tilespmem:s24], [sflag:$0x1] =	stream.indirect.gather [hbm4b:s9+s15], $0x1, s7, s15, $0xb8;
	[tilespmem:$0x2200] =	vst v63  }
0x6c: {  	_ = 	snop  }
0x6d: {  	[tilespmem:s25], [sflag:$0x1] =	stream.indirect.gather [hbm4b:s9+s15], $0x1, s15, s15, $0xb8;
	[tilespmem:$0x2200] =	vst v63  }
0x6e: {  	_ = 	snop  }
0x6f: {  	[tilespmem:s26], [sflag:$0x1] =	stream.indirect.gather [hbm4b:s9+s15], $0x1, s17, s15, $0xb8;
	[tilespmem:$0x2200] =	vst v63  }
0x70: {  	_ = 	snop  }
0x71: {  	[tilespmem:s28], [sflag:$0x1] =	stream.indirect.gather [hbm4b:s9+s15], $0x1, s18, s15, $0xb8;
	[tilespmem:$0x2200] =	vst v63  }
0x72: {  	_ = 	snop  }
0x73: {  	[tilespmem:s29], [sflag:$0x1] =	stream.indirect.gather [hbm4b:s8+s15], $0x1, s7, s15, $0xb8;
	[tilespmem:$0x2200] =	vst v63  }
0x74: {  	_ = 	snop  }
0x75: {  	[tilespmem:s30], [sflag:$0x1] =	stream.indirect.gather [hbm4b:s8+s15], $0x1, s15, s15, $0xb8;
	[tilespmem:$0x2200] =	vst v63  }
0x76: {  	_ = 	snop  }
0x77: {  	[tilespmem:s31], [sflag:$0x1] =	stream.indirect.gather [hbm4b:s8+s15], $0x1, s17, s15, $0xb8;
	[tilespmem:$0x2200] =	vst v63  }
0x78: {  	_ = 	snop  }
0x79: {  	[tilespmem:s22], [sflag:$0x1] =	stream.indirect.gather [hbm4b:s8+s15], $0x1, s18, s15, $0xb8;
	[tilespmem:$0x2200] =	vst v63  }
0x7a: {  	_ =	swait.ge [sflag:s5], $0x80  }
0x7b: {  	[sflag:s5] =	ssyncset.done $0x0  }
0x7c: {  	[sflag:s5] =	ssyncadd.s32 $0xFFFFFF80  }
0x7d: {  	_ =	swait.ge [sflag:s5], $0x80  }
0x7e: {  	[sflag:s5] =	ssyncset.done $0x0  }
0x7f: {  	[sflag:s5] =	ssyncadd.s32 $0xFFFFFF80  }
0x80: {  	_ =	swait.ge [sflag:s5], $0x80  }
0x81: {  	[sflag:s5] =	ssyncset.done $0x0  }
0x82: {  	[sflag:s5] =	ssyncadd.s32 $0xFFFFFF80  }
0x83: {  	_ =	swait.ge [sflag:s5], $0x80  }
0x84: {  	[sflag:s5] =	ssyncset.done $0x0  }
0x85: {  	[sflag:s5] =	ssyncadd.s32 $0xFFFFFF80  }
0x86: {  	_ =	swait.ge [sflag:s5], $0x80  }
0x87: {  	[sflag:s5] =	ssyncset.done $0x0  }
0x88: {  	[sflag:s5] =	ssyncadd.s32 $0xFFFFFF80  }
0x89: {  	_ =	swait.ge [sflag:s5], $0x80  }
0x8a: {  	[sflag:s5] =	ssyncset.done $0x0  }
0x8b: {  	[sflag:s5] =	ssyncadd.s32 $0xFFFFFF80  }
0x8c: {  	_ =	swait.ge [sflag:s5], $0x80  }
0x8d: {  	[sflag:s5] =	ssyncset.done $0x0  }
0x8e: {  	[sflag:s5] =	ssyncadd.s32 $0xFFFFFF80  }
0x8f: {  	_ =	swait.ge [sflag:s5], $0x80  }
0x90: {  	[sflag:s5] =	ssyncset.done $0x0  }
0x91: {  	[sflag:s5] =	ssyncadd.s32 $0xFFFFFF80  }
0x92: {  	_ =	swait.ge [sflag:s5], $0x80  }
0x93: {  	[sflag:s5] =	ssyncset.done $0x0  }
0x94: {  	[sflag:s5] =	ssyncadd.s32 $0xFFFFFF80  }
0x95: {  	_ =	swait.ge [sflag:s5], $0x80  }
0x96: {  	[sflag:s5] =	ssyncset.done $0x0  }
0x97: {  	[sflag:s5] =	ssyncadd.s32 $0xFFFFFF80  }
0x98: {  	_ =	swait.ge [sflag:s5], $0x80  }
0x99: {  	[sflag:s5] =	ssyncset.done $0x0  }
0x9a: {  	[sflag:s5] =	ssyncadd.s32 $0xFFFFFF80  }
0x9b: {  	_ =	swait.ge [sflag:s5], $0x80  }
0x9c: {  	[sflag:s5] =	ssyncset.done $0x0  }
0x9d: {  	[sflag:s5] =	ssyncadd.s32 $0xFFFFFF80  }
0x9e: {  	_ =	swait.ge [sflag:s5], $0x80  }
0x9f: {  	[sflag:s5] =	ssyncset.done $0x0  }
0xa0: {  	[sflag:s5] =	ssyncadd.s32 $0xFFFFFF80  }
0xa1: {  	_ =	swait.ge [sflag:s5], $0x80  }
0xa2: {  	[sflag:s5] =	ssyncset.done $0x0  }
0xa3: {  	[sflag:s5] =	ssyncadd.s32 $0xFFFFFF80  }
0xa4: {  	_ =	swait.ge [sflag:s5], $0x80  }
0xa5: {  	[sflag:s5] =	ssyncset.done $0x0  }
0xa6: {  	[sflag:s5] =	ssyncadd.s32 $0xFFFFFF80  }
0xa7: {  	_ =	swait.ge [sflag:s5], $0x80  }
0xa8: {  	[sflag:s5] =	ssyncset.done $0x0  }
0xa9: {  	[sflag:s5] =	ssyncadd.s32 $0xFFFFFF80  }
0xaa: {  	_ =	swait.ge [sflag:s5], $0x80  }
0xab: {  	[sflag:s5] =	ssyncset.done $0x0  }
0xac: {  	[sflag:s5] =	ssyncadd.s32 $0xFFFFFF80  }
0xad: {  	_ =	swait.ge [sflag:s5], $0x80  }
0xae: {  	[sflag:s5] =	ssyncset.done $0x0  }
0xaf: {  	[sflag:s5] =	ssyncadd.s32 $0xFFFFFF80  }
0xb0: {  	_ =	swait.ge [sflag:s5], $0x80  }
0xb1: {  	[sflag:s5] =	ssyncset.done $0x0  }
0xb2: {  	[sflag:s5] =	ssyncadd.s32 $0xFFFFFF80  }
0xb3: {  	_ =	swait.ge [sflag:s5], $0x80  }
0xb4: {  	[sflag:s5] =	ssyncset.done $0x0  }
0xb5: {  	[sflag:s5] =	ssyncadd.s32 $0xFFFFFF80  }
0xb6: {  	_ =	swait.ge [sflag:s5], $0x80  }
0xb7: {  	[sflag:s5] =	ssyncset.done $0x0  }
0xb8: {  	[sflag:s5] =	ssyncadd.s32 $0xFFFFFF80  }
0xb9: {  	_ =	swait.ge [sflag:s5], $0x80  }
0xba: {  	[sflag:s5] =	ssyncset.done $0x0  }
0xbb: {  	[sflag:s5] =	ssyncadd.s32 $0xFFFFFF80  }
0xbc: {  	_ =	swait.ge [sflag:s5], $0x80  }
0xbd: {  	[sflag:s5] =	ssyncset.done $0x0  }
0xbe: {  	[sflag:s5] =	ssyncadd.s32 $0xFFFFFF80  }
0xbf: {  	_ =	swait.ge [sflag:s5], $0x80  }
0xc0: {  	[sflag:s5] =	ssyncset.done $0x0  }
0xc1: {  	[sflag:s5] =	ssyncadd.s32 $0xFFFFFF80  }
0xc2: {  	_ =	swait.ge [sflag:s5], $0x80  }
0xc3: {  	[sflag:s5] =	ssyncset.done $0x0  }
0xc4: {  	[sflag:s5] =	ssyncadd.s32 $0xFFFFFF80  }
0xc5: {  	_ =	swait.ge [sflag:s5], $0x80  }
0xc6: {  	[sflag:s5] =	ssyncset.done $0x0  }
0xc7: {  	[sflag:s5] =	ssyncadd.s32 $0xFFFFFF80  }
0xc8: {  	_ =	swait.ge [sflag:s5], $0x80  }
0xc9: {  	[sflag:s5] =	ssyncset.done $0x0  }
0xca: {  	[sflag:s5] =	ssyncadd.s32 $0xFFFFFF80  }
0xcb: {  	_ =	swait.ge [sflag:s5], $0x80  }
0xcc: {  	[sflag:s5] =	ssyncset.done $0x0  }
0xcd: {  	[sflag:s5] =	ssyncadd.s32 $0xFFFFFF80  }
0xce: {  	_ =	swait.ge [sflag:s5], $0x80  }
0xcf: {  	[sflag:s5] =	ssyncset.done $0x0  }
0xd0: {  	[sflag:s5] =	ssyncadd.s32 $0xFFFFFF80  }
0xd1: {  	_ =	swait.ge [sflag:s5], $0x80  }
0xd2: {  	[sflag:s5] =	ssyncset.done $0x0  }
0xd3: {  	[sflag:s5] =	ssyncadd.s32 $0xFFFFFF80  }
0xd4: {  	_ =	swait.ge [sflag:s5], $0x80  }
0xd5: {  	[sflag:s5] =	ssyncset.done $0x0  }
0xd6: {  	[sflag:s5] =	ssyncadd.s32 $0xFFFFFF80  }
0xd7: {  	_ =	swait.ge [sflag:s5], $0x80  }
0xd8: {  	[sflag:s5] =	ssyncset.done $0x0  }
0xd9: {  	[sflag:s5] =	ssyncadd.s32 $0xFFFFFF80  }
0xda: {  	_ =	swait.ge [sflag:s5], $0x80  }
0xdb: {  	[sflag:s5] =	ssyncset.done $0x0  }
0xdc: {  	[sflag:s5] =	ssyncadd.s32 $0xFFFFFF80  }
0xdd: {  	_ =	swait.ge [sflag:s5], $0x80  }
0xde: {  	[sflag:s5] =	ssyncset.done $0x0  }
0xdf: {  	[sflag:s5] =	ssyncadd.s32 $0xFFFFFF80  }
0xe0: {  	_ =	swait.ge [sflag:s5], $0x80  }
0xe1: {  	[sflag:s5] =	ssyncset.done $0x0  }
0xe2: {  	[sflag:s5] =	ssyncadd.s32 $0xFFFFFF80  }
0xe3: {  	_ =	swait.ge [sflag:s5], $0x80  }
0xe4: {  	[sflag:s5] =	ssyncset.done $0x0  }
0xe5: {  	[sflag:s5] =	ssyncadd.s32 $0xFFFFFF80  }
0xe6: {  	_ =	swait.ge [sflag:s5], $0x80  }
0xe7: {  	[sflag:s5] =	ssyncset.done $0x0  }
0xe8: {  	[sflag:s5] =	ssyncadd.s32 $0xFFFFFF80  }
0xe9: {  	_ =	swait.ge [sflag:s5], $0x80  }
0xea: {  	[sflag:s5] =	ssyncset.done $0x0  }
0xeb: {  	[sflag:s5] =	ssyncadd.s32 $0xFFFFFF80  }
0xec: {  	_ =	swait.ge [sflag:s5], $0x80  }
0xed: {  	[sflag:s5] =	ssyncset.done $0x0  }
0xee: {  	[sflag:s5] =	ssyncadd.s32 $0xFFFFFF80  }
0xef: {  	p1 =	sne.s32 s6, $0x1;
	_ =	swait.ge [sflag:s5], $0x80  }
.Ltmp1:
0xf0: {  	[sflag:s5] =	ssyncset.done $0x0;
	(pc) =	sbr.rel @!p1 .LBB2_3-.Ltmp1, $4  }
0xf1: {  	s1 =	rddreg [dreg:$0x5];
	[sflag:s5] =	ssyncadd.s32 $0xFFFFFF80  }
0xf2: {  	[hbm4b:s1+s4] =	stream.strided.scatter [tilespmem:s3], [sflag:$0x2], $0x2000, s21, s4, $0x38;
	[tilespmem:$0x2200] =	vst v63  }
0xf3: {  	p0 =	por $0x1, $0x1;
	_ =	swait.ge [sflag:s2], $0x2000  }
0xf4: {  	s1 =	sadd.s32 $0xFFFFFFFF, s6;
	s0 =	rddreg [dreg:$0x4];
	[sflag:s2] =	ssyncset.done $0x0  }
.LBB2_4:
0xf5: {  	[sflag:s2] =	ssyncadd.s32 $0xFFFFE000  }
0xf6: {  	[tilespmem:s7], [sflag:$0x2] =	stream.linear.gather [hbm4b:s0+s7], $0x200, $0x38;
	[tilespmem:$0x2200] =	vst v63  }
0xf7: {  	_ =	swait.ge [sflag:s2], $0x200  }
0xf8: {  	[sflag:s2] =	ssyncset.done $0x0  }
0xf9: {  	[sflag:s2] =	ssyncadd.s32 $0xFFFFFE00  }
0xfa: {  	[tilespmem:s3], [sflag:$0x1] =	stream.indirect.gather [hbm4b:s20+s15], $0x1, s7, s15, $0xb8;
	[tilespmem:$0x2200] =	vst v63  }
0xfb: {  	s0 =	rddreg [dreg:$0x6]  }
0xfc: {  	[tilespmem:s0], [sflag:$0x1] =	stream.indirect.gather [hbm4b:s20+s15], $0x1, s15, s15, $0xb8;
	[tilespmem:$0x2200] =	vst v63  }
0xfd: {  	s6 =	rddreg [dreg:$0x7]  }
0xfe: {  	[tilespmem:s6], [sflag:$0x1] =	stream.indirect.gather [hbm4b:s20+s15], $0x1, s17, s15, $0xb8;
	[tilespmem:$0x2200] =	vst v63  }
0xff: {  	s0 =	rddreg [dreg:$0x8]  }
0x100: {  	[tilespmem:s0], [sflag:$0x1] =	stream.indirect.gather [hbm4b:s20+s15], $0x1, s18, s15, $0xb8;
	[tilespmem:$0x2200] =	vst v63  }
0x101: {  	s6 =	rddreg [dreg:$0x9]  }
0x102: {  	[tilespmem:s6], [sflag:$0x1] =	stream.indirect.gather [hbm4b:s19+s15], $0x1, s7, s15, $0xb8;
	[tilespmem:$0x2200] =	vst v63  }
0x103: {  	s0 =	rddreg [dreg:$0xa]  }
0x104: {  	[tilespmem:s0], [sflag:$0x1] =	stream.indirect.gather [hbm4b:s19+s15], $0x1, s15, s15, $0xb8;
	[tilespmem:$0x2200] =	vst v63  }
0x105: {  	s6 =	rddreg [dreg:$0xb]  }
0x106: {  	[tilespmem:s6], [sflag:$0x1] =	stream.indirect.gather [hbm4b:s19+s15], $0x1, s17, s15, $0xb8;
	[tilespmem:$0x2200] =	vst v63  }
0x107: {  	s0 =	rddreg [dreg:$0xc]  }
0x108: {  	[tilespmem:s0], [sflag:$0x1] =	stream.indirect.gather [hbm4b:s19+s15], $0x1, s18, s15, $0xb8;
	[tilespmem:$0x2200] =	vst v63  }
0x109: {  	s6 =	rddreg [dreg:$0xd]  }
0x10a: {  	[tilespmem:s6], [sflag:$0x1] =	stream.indirect.gather [hbm4b:s16+s15], $0x1, s7, s15, $0xb8;
	[tilespmem:$0x2200] =	vst v63  }
0x10b: {  	s0 =	rddreg [dreg:$0xe]  }
0x10c: {  	[tilespmem:s0], [sflag:$0x1] =	stream.indirect.gather [hbm4b:s16+s15], $0x1, s15, s15, $0xb8;
	[tilespmem:$0x2200] =	vst v63  }
0x10d: {  	s6 =	rddreg [dreg:$0xf]  }
0x10e: {  	[tilespmem:s6], [sflag:$0x1] =	stream.indirect.gather [hbm4b:s16+s15], $0x1, s17, s15, $0xb8;
	[tilespmem:$0x2200] =	vst v63  }
0x10f: {  	s0 =	rddreg [dreg:$0x10]  }
0x110: {  	[tilespmem:s0], [sflag:$0x1] =	stream.indirect.gather [hbm4b:s16+s15], $0x1, s18, s15, $0xb8;
	[tilespmem:$0x2200] =	vst v63  }
0x111: {  	s6 =	rddreg [dreg:$0x11]  }
0x112: {  	[tilespmem:s6], [sflag:$0x1] =	stream.indirect.gather [hbm4b:s14+s15], $0x1, s7, s15, $0xb8;
	[tilespmem:$0x2200] =	vst v63  }
0x113: {  	s0 =	rddreg [dreg:$0x12]  }
0x114: {  	[tilespmem:s0], [sflag:$0x1] =	stream.indirect.gather [hbm4b:s14+s15], $0x1, s15, s15, $0xb8;
	[tilespmem:$0x2200] =	vst v63  }
0x115: {  	s6 =	rddreg [dreg:$0x13]  }
0x116: {  	[tilespmem:s6], [sflag:$0x1] =	stream.indirect.gather [hbm4b:s14+s15], $0x1, s17, s15, $0xb8;
	[tilespmem:$0x2200] =	vst v63  }
0x117: {  	s0 =	rddreg [dreg:$0x14]  }
0x118: {  	[tilespmem:s0], [sflag:$0x1] =	stream.indirect.gather [hbm4b:s14+s15], $0x1, s18, s15, $0xb8;
	[tilespmem:$0x2200] =	vst v63  }
0x119: {  	s6 =	rddreg [dreg:$0x15]  }
0x11a: {  	[tilespmem:s6], [sflag:$0x1] =	stream.indirect.gather [hbm4b:s13+s15], $0x1, s7, s15, $0xb8;
	[tilespmem:$0x2200] =	vst v63  }
0x11b: {  	s0 =	rddreg [dreg:$0x16]  }
0x11c: {  	[tilespmem:s0], [sflag:$0x1] =	stream.indirect.gather [hbm4b:s13+s15], $0x1, s15, s15, $0xb8;
	[tilespmem:$0x2200] =	vst v63  }
0x11d: {  	s6 =	rddreg [dreg:$0x17]  }
0x11e: {  	[tilespmem:s6], [sflag:$0x1] =	stream.indirect.gather [hbm4b:s13+s15], $0x1, s17, s15, $0xb8;
	[tilespmem:$0x2200] =	vst v63  }
0x11f: {  	s0 =	rddreg [dreg:$0x18]  }
0x120: {  	[tilespmem:s4], [sflag:$0x1] =	stream.indirect.gather [hbm4b:s13+s15], $0x1, s18, s15, $0xb8;
	[tilespmem:$0x2200] =	vst v63  }
0x121: {  	s6 =	rddreg [dreg:$0x19]  }
0x122: {  	[tilespmem:s0], [sflag:$0x1] =	stream.indirect.gather [hbm4b:s12+s15], $0x1, s7, s15, $0xb8;
	[tilespmem:$0x2200] =	vst v63  }
0x123: {  	s0 =	rddreg [dreg:$0x1a]  }
0x124: {  	[tilespmem:s6], [sflag:$0x1] =	stream.indirect.gather [hbm4b:s12+s15], $0x1, s15, s15, $0xb8;
	[tilespmem:$0x2200] =	vst v63  }
0x125: {  	s6 =	rddreg [dreg:$0x1b]  }
0x126: {  	[tilespmem:s0], [sflag:$0x1] =	stream.indirect.gather [hbm4b:s12+s15], $0x1, s17, s15, $0xb8;
	[tilespmem:$0x2200] =	vst v63  }
0x127: {  	s0 =	rddreg [dreg:$0x1c]  }
0x128: {  	[tilespmem:s6], [sflag:$0x1] =	stream.indirect.gather [hbm4b:s12+s15], $0x1, s18, s15, $0xb8;
	[tilespmem:$0x2200] =	vst v63  }
0x129: {  	s6 =	rddreg [dreg:$0x1d]  }
0x12a: {  	[tilespmem:s0], [sflag:$0x1] =	stream.indirect.gather [hbm4b:s11+s15], $0x1, s7, s15, $0xb8;
	[tilespmem:$0x2200] =	vst v63  }
0x12b: {  	s0 =	rddreg [dreg:$0x1e]  }
0x12c: {  	[tilespmem:s6], [sflag:$0x1] =	stream.indirect.gather [hbm4b:s11+s15], $0x1, s15, s15, $0xb8;
	[tilespmem:$0x2200] =	vst v63  }
0x12d: {  	s6 =	rddreg [dreg:$0x1f]  }
0x12e: {  	[tilespmem:s0], [sflag:$0x1] =	stream.indirect.gather [hbm4b:s11+s15], $0x1, s17, s15, $0xb8;
	[tilespmem:$0x2200] =	vst v63  }
0x12f: {  	s0 =	sld [smem:$0x7FC]  }
0x130: {  	[tilespmem:s6], [sflag:$0x1] =	stream.indirect.gather [hbm4b:s11+s15], $0x1, s18, s15, $0xb8;
	[tilespmem:$0x2200] =	vst v63  }
0x131: {  	s6 =	sld [smem:$0x7FD]  }
0x132: {  	[tilespmem:s0], [sflag:$0x1] =	stream.indirect.gather [hbm4b:s10+s15], $0x1, s7, s15, $0xb8;
	[tilespmem:$0x2200] =	vst v63  }
0x133: {  	_ = 	snop  }
0x134: {  	[tilespmem:s6], [sflag:$0x1] =	stream.indirect.gather [hbm4b:s10+s15], $0x1, s15, s15, $0xb8;
	[tilespmem:$0x2200] =	vst v63  }
0x135: {  	s6 =	simm.s32 $0xD80  }
0x136: {  	[tilespmem:s6], [sflag:$0x1] =	stream.indirect.gather [hbm4b:s10+s15], $0x1, s17, s15, $0xb8;
	[tilespmem:$0x2200] =	vst v63  }
0x137: {  	_ = 	snop  }
0x138: {  	[tilespmem:s23], [sflag:$0x1] =	stream.indirect.gather [hbm4b:s10+s15], $0x1, s18, s15, $0xb8;
	[tilespmem:$0x2200] =	vst v63  }
0x139: {  	_ = 	snop  }
0x13a: {  	[tilespmem:s24], [sflag:$0x1] =	stream.indirect.gather [hbm4b:s9+s15], $0x1, s7, s15, $0xb8;
	[tilespmem:$0x2200] =	vst v63  }
0x13b: {  	_ = 	snop  }
0x13c: {  	[tilespmem:s25], [sflag:$0x1] =	stream.indirect.gather [hbm4b:s9+s15], $0x1, s15, s15, $0xb8;
	[tilespmem:$0x2200] =	vst v63  }
0x13d: {  	_ = 	snop  }
0x13e: {  	[tilespmem:s26], [sflag:$0x1] =	stream.indirect.gather [hbm4b:s9+s15], $0x1, s17, s15, $0xb8;
	[tilespmem:$0x2200] =	vst v63  }
0x13f: {  	_ = 	snop  }
0x140: {  	[tilespmem:s28], [sflag:$0x1] =	stream.indirect.gather [hbm4b:s9+s15], $0x1, s18, s15, $0xb8;
	[tilespmem:$0x2200] =	vst v63  }
0x141: {  	_ = 	snop  }
0x142: {  	[tilespmem:s29], [sflag:$0x1] =	stream.indirect.gather [hbm4b:s8+s15], $0x1, s7, s15, $0xb8;
	[tilespmem:$0x2200] =	vst v63  }
0x143: {  	_ = 	snop  }
0x144: {  	[tilespmem:s30], [sflag:$0x1] =	stream.indirect.gather [hbm4b:s8+s15], $0x1, s15, s15, $0xb8;
	[tilespmem:$0x2200] =	vst v63  }
0x145: {  	_ = 	snop  }
0x146: {  	[tilespmem:s31], [sflag:$0x1] =	stream.indirect.gather [hbm4b:s8+s15], $0x1, s17, s15, $0xb8;
	[tilespmem:$0x2200] =	vst v63  }
0x147: {  	_ = 	snop  }
0x148: {  	[tilespmem:s22], [sflag:$0x1] =	stream.indirect.gather [hbm4b:s8+s15], $0x1, s18, s15, $0xb8;
	[tilespmem:$0x2200] =	vst v63  }
0x149: {  	_ =	swait.ge [sflag:s5], $0x80  }
0x14a: {  	[sflag:s5] =	ssyncset.done $0x0  }
0x14b: {  	[sflag:s5] =	ssyncadd.s32 $0xFFFFFF80  }
0x14c: {  	_ =	swait.ge [sflag:s5], $0x80  }
0x14d: {  	[sflag:s5] =	ssyncset.done $0x0  }
0x14e: {  	[sflag:s5] =	ssyncadd.s32 $0xFFFFFF80  }
0x14f: {  	_ =	swait.ge [sflag:s5], $0x80  }
0x150: {  	[sflag:s5] =	ssyncset.done $0x0  }
0x151: {  	[sflag:s5] =	ssyncadd.s32 $0xFFFFFF80  }
0x152: {  	_ =	swait.ge [sflag:s5], $0x80  }
0x153: {  	[sflag:s5] =	ssyncset.done $0x0  }
0x154: {  	[sflag:s5] =	ssyncadd.s32 $0xFFFFFF80  }
0x155: {  	_ =	swait.ge [sflag:s5], $0x80  }
0x156: {  	[sflag:s5] =	ssyncset.done $0x0  }
0x157: {  	[sflag:s5] =	ssyncadd.s32 $0xFFFFFF80  }
0x158: {  	_ =	swait.ge [sflag:s5], $0x80  }
0x159: {  	[sflag:s5] =	ssyncset.done $0x0  }
0x15a: {  	[sflag:s5] =	ssyncadd.s32 $0xFFFFFF80  }
0x15b: {  	_ =	swait.ge [sflag:s5], $0x80  }
0x15c: {  	[sflag:s5] =	ssyncset.done $0x0  }
0x15d: {  	[sflag:s5] =	ssyncadd.s32 $0xFFFFFF80  }
0x15e: {  	_ =	swait.ge [sflag:s5], $0x80  }
0x15f: {  	[sflag:s5] =	ssyncset.done $0x0  }
0x160: {  	[sflag:s5] =	ssyncadd.s32 $0xFFFFFF80  }
0x161: {  	_ =	swait.ge [sflag:s5], $0x80  }
0x162: {  	[sflag:s5] =	ssyncset.done $0x0  }
0x163: {  	[sflag:s5] =	ssyncadd.s32 $0xFFFFFF80  }
0x164: {  	_ =	swait.ge [sflag:s5], $0x80  }
0x165: {  	[sflag:s5] =	ssyncset.done $0x0  }
0x166: {  	[sflag:s5] =	ssyncadd.s32 $0xFFFFFF80  }
0x167: {  	_ =	swait.ge [sflag:s5], $0x80  }
0x168: {  	[sflag:s5] =	ssyncset.done $0x0  }
0x169: {  	[sflag:s5] =	ssyncadd.s32 $0xFFFFFF80  }
0x16a: {  	_ =	swait.ge [sflag:s5], $0x80  }
0x16b: {  	[sflag:s5] =	ssyncset.done $0x0  }
0x16c: {  	[sflag:s5] =	ssyncadd.s32 $0xFFFFFF80  }
0x16d: {  	_ =	swait.ge [sflag:s5], $0x80  }
0x16e: {  	[sflag:s5] =	ssyncset.done $0x0  }
0x16f: {  	[sflag:s5] =	ssyncadd.s32 $0xFFFFFF80  }
0x170: {  	_ =	swait.ge [sflag:s5], $0x80  }
0x171: {  	[sflag:s5] =	ssyncset.done $0x0  }
0x172: {  	[sflag:s5] =	ssyncadd.s32 $0xFFFFFF80  }
0x173: {  	_ =	swait.ge [sflag:s5], $0x80  }
0x174: {  	[sflag:s5] =	ssyncset.done $0x0  }
0x175: {  	[sflag:s5] =	ssyncadd.s32 $0xFFFFFF80  }
0x176: {  	_ =	swait.ge [sflag:s5], $0x80  }
0x177: {  	[sflag:s5] =	ssyncset.done $0x0  }
0x178: {  	[sflag:s5] =	ssyncadd.s32 $0xFFFFFF80  }
0x179: {  	_ =	swait.ge [sflag:s5], $0x80  }
0x17a: {  	[sflag:s5] =	ssyncset.done $0x0  }
0x17b: {  	[sflag:s5] =	ssyncadd.s32 $0xFFFFFF80  }
0x17c: {  	_ =	swait.ge [sflag:s5], $0x80  }
0x17d: {  	[sflag:s5] =	ssyncset.done $0x0  }
0x17e: {  	[sflag:s5] =	ssyncadd.s32 $0xFFFFFF80  }
0x17f: {  	_ =	swait.ge [sflag:s5], $0x80  }
0x180: {  	[sflag:s5] =	ssyncset.done $0x0  }
0x181: {  	[sflag:s5] =	ssyncadd.s32 $0xFFFFFF80  }
0x182: {  	_ =	swait.ge [sflag:s5], $0x80  }
0x183: {  	[sflag:s5] =	ssyncset.done $0x0  }
0x184: {  	[sflag:s5] =	ssyncadd.s32 $0xFFFFFF80  }
0x185: {  	_ =	swait.ge [sflag:s5], $0x80  }
0x186: {  	[sflag:s5] =	ssyncset.done $0x0  }
0x187: {  	[sflag:s5] =	ssyncadd.s32 $0xFFFFFF80  }
0x188: {  	_ =	swait.ge [sflag:s5], $0x80  }
0x189: {  	[sflag:s5] =	ssyncset.done $0x0  }
0x18a: {  	[sflag:s5] =	ssyncadd.s32 $0xFFFFFF80  }
0x18b: {  	_ =	swait.ge [sflag:s5], $0x80  }
0x18c: {  	[sflag:s5] =	ssyncset.done $0x0  }
0x18d: {  	[sflag:s5] =	ssyncadd.s32 $0xFFFFFF80  }
0x18e: {  	_ =	swait.ge [sflag:s5], $0x80  }
0x18f: {  	[sflag:s5] =	ssyncset.done $0x0  }
0x190: {  	[sflag:s5] =	ssyncadd.s32 $0xFFFFFF80  }
0x191: {  	_ =	swait.ge [sflag:s5], $0x80  }
0x192: {  	[sflag:s5] =	ssyncset.done $0x0  }
0x193: {  	[sflag:s5] =	ssyncadd.s32 $0xFFFFFF80  }
0x194: {  	_ =	swait.ge [sflag:s5], $0x80  }
0x195: {  	[sflag:s5] =	ssyncset.done $0x0  }
0x196: {  	[sflag:s5] =	ssyncadd.s32 $0xFFFFFF80  }
0x197: {  	_ =	swait.ge [sflag:s5], $0x80  }
0x198: {  	[sflag:s5] =	ssyncset.done $0x0  }
0x199: {  	[sflag:s5] =	ssyncadd.s32 $0xFFFFFF80  }
0x19a: {  	_ =	swait.ge [sflag:s5], $0x80  }
0x19b: {  	[sflag:s5] =	ssyncset.done $0x0  }
0x19c: {  	[sflag:s5] =	ssyncadd.s32 $0xFFFFFF80  }
0x19d: {  	_ =	swait.ge [sflag:s5], $0x80  }
0x19e: {  	[sflag:s5] =	ssyncset.done $0x0  }
0x19f: {  	[sflag:s5] =	ssyncadd.s32 $0xFFFFFF80  }
0x1a0: {  	_ =	swait.ge [sflag:s5], $0x80  }
0x1a1: {  	[sflag:s5] =	ssyncset.done $0x0  }
0x1a2: {  	[sflag:s5] =	ssyncadd.s32 $0xFFFFFF80  }
0x1a3: {  	_ =	swait.ge [sflag:s5], $0x80  }
0x1a4: {  	[sflag:s5] =	ssyncset.done $0x0  }
0x1a5: {  	[sflag:s5] =	ssyncadd.s32 $0xFFFFFF80  }
0x1a6: {  	_ =	swait.ge [sflag:s5], $0x80  }
0x1a7: {  	[sflag:s5] =	ssyncset.done $0x0  }
0x1a8: {  	[sflag:s5] =	ssyncadd.s32 $0xFFFFFF80  }
0x1a9: {  	_ =	swait.ge [sflag:s5], $0x80  }
0x1aa: {  	[sflag:s5] =	ssyncset.done $0x0  }
0x1ab: {  	[sflag:s5] =	ssyncadd.s32 $0xFFFFFF80  }
0x1ac: {  	_ =	swait.ge [sflag:s5], $0x80  }
0x1ad: {  	[sflag:s5] =	ssyncset.done $0x0  }
0x1ae: {  	[sflag:s5] =	ssyncadd.s32 $0xFFFFFF80  }
0x1af: {  	_ =	swait.ge [sflag:s5], $0x80  }
0x1b0: {  	[sflag:s5] =	ssyncset.done $0x0  }
0x1b1: {  	[sflag:s5] =	ssyncadd.s32 $0xFFFFFF80  }
0x1b2: {  	_ =	swait.ge [sflag:s5], $0x80  }
0x1b3: {  	[sflag:s5] =	ssyncset.done $0x0  }
0x1b4: {  	[sflag:s5] =	ssyncadd.s32 $0xFFFFFF80  }
0x1b5: {  	_ =	swait.ge [sflag:s5], $0x80  }
0x1b6: {  	[sflag:s5] =	ssyncset.done $0x0  }
0x1b7: {  	[sflag:s5] =	ssyncadd.s32 $0xFFFFFF80  }
0x1b8: {  	_ =	swait.ge [sflag:s5], $0x80  }
0x1b9: {  	[sflag:s5] =	ssyncset.done $0x0  }
0x1ba: {  	[sflag:s5] =	ssyncadd.s32 $0xFFFFFF80  }
0x1bb: {  	_ =	swait.ge [sflag:s5], $0x80  }
0x1bc: {  	[sflag:s5] =	ssyncset.done $0x0  }
0x1bd: {  	[sflag:s5] =	ssyncadd.s32 $0xFFFFFF80  }
0x1be: {  	p1 =	sne.s32 s1, $0x1;
	_ =	swait.ge [sflag:s5], $0x80  }
.Ltmp2:
0x1bf: {  	[sflag:s5] =	ssyncset.done $0x0;
	(pc) =	sbr.rel @p1 .LBB2_4-.Ltmp2, $4  }
0x1c0: {  	s6 =	rddreg [dreg:$0x5];
	[sflag:s5] =	ssyncadd.s32 $0xFFFFFF80  }
0x1c1: {  	[hbm4b:s6+s4] =	stream.strided.scatter [tilespmem:s3], [sflag:$0x2], $0x2000, s21, s4, $0x38;
	[tilespmem:$0x2200] =	vst v63  }
0x1c2: {  	_ =	swait.ge [sflag:s2], $0x2000  }
0x1c3: {  	s1 =	sadd.s32 $0xFFFFFFFF, s1;
	s0 =	rddreg [dreg:$0x4];
	[sflag:s2] =	ssyncset.done $0x0  }
0x1c4: {  	s21 =	simm.s32 $0x1E80;
	s31 =	simm.s32 $0x1A80  }
0x1c5: {  	s30 =	simm.s32 $0x1680;
	s29 =	simm.s32 $0x1280;
	s28 =	simm.s32 $0x1E00  }
0x1c6: {  	s26 =	simm.s32 $0x1A00;
	s25 =	simm.s32 $0x1600;
	s24 =	simm.s32 $0x1200  }
0x1c7: {  	s23 =	simm.s32 $0x1180;
	s22 =	simm.s32 $0xD80;
	s6 =	stileid.u32  }
.LBB2_6:
0x1c8: {  	[sflag:s2] =	ssyncadd.s32 @p0 $0xFFFFE000  }
0x1c9: {  	[tilespmem:s7], [sflag:$0x2] =	stream.linear.gather [hbm4b:s0+s7], $0x200, $0x38;
	[tilespmem:$0x2200] =	vst v63  }
0x1ca: {  	_ =	swait.ge [sflag:s2], $0x200  }
0x1cb: {  	[sflag:s2] =	ssyncset.done $0x0  }
0x1cc: {  	[sflag:s2] =	ssyncadd.s32 $0xFFFFFE00  }
0x1cd: {  	[tilespmem:s3], [sflag:$0x1] =	stream.indirect.gather [hbm4b:s20+s15], $0x1, s7, s15, $0xb8;
	[tilespmem:$0x2200] =	vst v63  }
0x1ce: {  	s0 =	rddreg [dreg:$0x6]  }
0x1cf: {  	[tilespmem:s0], [sflag:$0x1] =	stream.indirect.gather [hbm4b:s20+s15], $0x1, s15, s15, $0xb8;
	[tilespmem:$0x2200] =	vst v63  }
0x1d0: {  	s1 =	rddreg [dreg:$0x7]  }
0x1d1: {  	[tilespmem:s1], [sflag:$0x1] =	stream.indirect.gather [hbm4b:s20+s15], $0x1, s17, s15, $0xb8;
	[tilespmem:$0x2200] =	vst v63  }
0x1d2: {  	s0 =	rddreg [dreg:$0x8]  }
0x1d3: {  	[tilespmem:s0], [sflag:$0x1] =	stream.indirect.gather [hbm4b:s20+s15], $0x1, s18, s15, $0xb8;
	[tilespmem:$0x2200] =	vst v63  }
0x1d4: {  	s1 =	rddreg [dreg:$0x9]  }
0x1d5: {  	[tilespmem:s1], [sflag:$0x1] =	stream.indirect.gather [hbm4b:s19+s15], $0x1, s7, s15, $0xb8;
	[tilespmem:$0x2200] =	vst v63  }
0x1d6: {  	s0 =	rddreg [dreg:$0xa]  }
0x1d7: {  	[tilespmem:s0], [sflag:$0x1] =	stream.indirect.gather [hbm4b:s19+s15], $0x1, s15, s15, $0xb8;
	[tilespmem:$0x2200] =	vst v63  }
0x1d8: {  	s20 =	rddreg [dreg:$0xb]  }
0x1d9: {  	[tilespmem:s20], [sflag:$0x1] =	stream.indirect.gather [hbm4b:s19+s15], $0x1, s17, s15, $0xb8;
	[tilespmem:$0x2200] =	vst v63  }
0x1da: {  	s0 =	rddreg [dreg:$0xc]  }
0x1db: {  	[tilespmem:s0], [sflag:$0x1] =	stream.indirect.gather [hbm4b:s19+s15], $0x1, s18, s15, $0xb8;
	[tilespmem:$0x2200] =	vst v63  }
0x1dc: {  	s20 =	rddreg [dreg:$0xd]  }
0x1dd: {  	[tilespmem:s20], [sflag:$0x1] =	stream.indirect.gather [hbm4b:s16+s15], $0x1, s7, s15, $0xb8;
	[tilespmem:$0x2200] =	vst v63  }
0x1de: {  	s19 =	rddreg [dreg:$0xe]  }
0x1df: {  	[tilespmem:s19], [sflag:$0x1] =	stream.indirect.gather [hbm4b:s16+s15], $0x1, s15, s15, $0xb8;
	[tilespmem:$0x2200] =	vst v63  }
0x1e0: {  	s20 =	rddreg [dreg:$0xf]  }
0x1e1: {  	[tilespmem:s20], [sflag:$0x1] =	stream.indirect.gather [hbm4b:s16+s15], $0x1, s17, s15, $0xb8;
	[tilespmem:$0x2200] =	vst v63  }
0x1e2: {  	s19 =	rddreg [dreg:$0x10]  }
0x1e3: {  	[tilespmem:s19], [sflag:$0x1] =	stream.indirect.gather [hbm4b:s16+s15], $0x1, s18, s15, $0xb8;
	[tilespmem:$0x2200] =	vst v63  }
0x1e4: {  	s20 =	rddreg [dreg:$0x11]  }
0x1e5: {  	[tilespmem:s20], [sflag:$0x1] =	stream.indirect.gather [hbm4b:s14+s15], $0x1, s7, s15, $0xb8;
	[tilespmem:$0x2200] =	vst v63  }
0x1e6: {  	s16 =	rddreg [dreg:$0x12]  }
0x1e7: {  	[tilespmem:s16], [sflag:$0x1] =	stream.indirect.gather [hbm4b:s14+s15], $0x1, s15, s15, $0xb8;
	[tilespmem:$0x2200] =	vst v63  }
0x1e8: {  	s19 =	rddreg [dreg:$0x13]  }
0x1e9: {  	[tilespmem:s19], [sflag:$0x1] =	stream.indirect.gather [hbm4b:s14+s15], $0x1, s17, s15, $0xb8;
	[tilespmem:$0x2200] =	vst v63  }
0x1ea: {  	s20 =	rddreg [dreg:$0x14]  }
0x1eb: {  	[tilespmem:s20], [sflag:$0x1] =	stream.indirect.gather [hbm4b:s14+s15], $0x1, s18, s15, $0xb8;
	[tilespmem:$0x2200] =	vst v63  }
0x1ec: {  	s16 =	rddreg [dreg:$0x15]  }
0x1ed: {  	[tilespmem:s16], [sflag:$0x1] =	stream.indirect.gather [hbm4b:s13+s15], $0x1, s7, s15, $0xb8;
	[tilespmem:$0x2200] =	vst v63  }
0x1ee: {  	s19 =	rddreg [dreg:$0x16]  }
0x1ef: {  	[tilespmem:s19], [sflag:$0x1] =	stream.indirect.gather [hbm4b:s13+s15], $0x1, s15, s15, $0xb8;
	[tilespmem:$0x2200] =	vst v63  }
0x1f0: {  	s20 =	rddreg [dreg:$0x17]  }
0x1f1: {  	[tilespmem:s20], [sflag:$0x1] =	stream.indirect.gather [hbm4b:s13+s15], $0x1, s17, s15, $0xb8;
	[tilespmem:$0x2200] =	vst v63  }
0x1f2: {  	s1 =	rddreg [dreg:$0x18]  }
0x1f3: {  	[tilespmem:s4], [sflag:$0x1] =	stream.indirect.gather [hbm4b:s13+s15], $0x1, s18, s15, $0xb8;
	[tilespmem:$0x2200] =	vst v63  }
0x1f4: {  	s14 =	rddreg [dreg:$0x19]  }
0x1f5: {  	[tilespmem:s1], [sflag:$0x1] =	stream.indirect.gather [hbm4b:s12+s15], $0x1, s7, s15, $0xb8;
	[tilespmem:$0x2200] =	vst v63  }
0x1f6: {  	s16 =	rddreg [dreg:$0x1a]  }
0x1f7: {  	[tilespmem:s14], [sflag:$0x1] =	stream.indirect.gather [hbm4b:s12+s15], $0x1, s15, s15, $0xb8;
	[tilespmem:$0x2200] =	vst v63  }
0x1f8: {  	s19 =	rddreg [dreg:$0x1b]  }
0x1f9: {  	[tilespmem:s16], [sflag:$0x1] =	stream.indirect.gather [hbm4b:s12+s15], $0x1, s17, s15, $0xb8;
	[tilespmem:$0x2200] =	vst v63  }
0x1fa: {  	s20 =	rddreg [dreg:$0x1c]  }
0x1fb: {  	[tilespmem:s19], [sflag:$0x1] =	stream.indirect.gather [hbm4b:s12+s15], $0x1, s18, s15, $0xb8;
	[tilespmem:$0x2200] =	vst v63  }
0x1fc: {  	s13 =	rddreg [dreg:$0x1d]  }
0x1fd: {  	[tilespmem:s20], [sflag:$0x1] =	stream.indirect.gather [hbm4b:s11+s15], $0x1, s7, s15, $0xb8;
	[tilespmem:$0x2200] =	vst v63  }
0x1fe: {  	s14 =	rddreg [dreg:$0x1e]  }
0x1ff: {  	[tilespmem:s13], [sflag:$0x1] =	stream.indirect.gather [hbm4b:s11+s15], $0x1, s15, s15, $0xb8;
	[tilespmem:$0x2200] =	vst v63  }
0x200: {  	s16 =	rddreg [dreg:$0x1f]  }
0x201: {  	[tilespmem:s14], [sflag:$0x1] =	stream.indirect.gather [hbm4b:s11+s15], $0x1, s17, s15, $0xb8;
	[tilespmem:$0x2200] =	vst v63  }
0x202: {  	s19 =	sld [smem:$0x7FC]  }
0x203: {  	[tilespmem:s16], [sflag:$0x1] =	stream.indirect.gather [hbm4b:s11+s15], $0x1, s18, s15, $0xb8;
	[tilespmem:$0x2200] =	vst v63  }
0x204: {  	s20 =	sld [smem:$0x7FD]  }
0x205: {  	[tilespmem:s19], [sflag:$0x1] =	stream.indirect.gather [hbm4b:s10+s15], $0x1, s7, s15, $0xb8;
	[tilespmem:$0x2200] =	vst v63  }
0x206: {  	_ = 	snop  }
0x207: {  	[tilespmem:s20], [sflag:$0x1] =	stream.indirect.gather [hbm4b:s10+s15], $0x1, s15, s15, $0xb8;
	[tilespmem:$0x2200] =	vst v63  }
0x208: {  	_ = 	snop  }
0x209: {  	[tilespmem:s22], [sflag:$0x1] =	stream.indirect.gather [hbm4b:s10+s15], $0x1, s17, s15, $0xb8;
	[tilespmem:$0x2200] =	vst v63  }
0x20a: {  	_ = 	snop  }
0x20b: {  	[tilespmem:s23], [sflag:$0x1] =	stream.indirect.gather [hbm4b:s10+s15], $0x1, s18, s15, $0xb8;
	[tilespmem:$0x2200] =	vst v63  }
0x20c: {  	_ = 	snop  }
0x20d: {  	[tilespmem:s24], [sflag:$0x1] =	stream.indirect.gather [hbm4b:s9+s15], $0x1, s7, s15, $0xb8;
	[tilespmem:$0x2200] =	vst v63  }
0x20e: {  	_ = 	snop  }
0x20f: {  	[tilespmem:s25], [sflag:$0x1] =	stream.indirect.gather [hbm4b:s9+s15], $0x1, s15, s15, $0xb8;
	[tilespmem:$0x2200] =	vst v63  }
0x210: {  	_ = 	snop  }
0x211: {  	[tilespmem:s26], [sflag:$0x1] =	stream.indirect.gather [hbm4b:s9+s15], $0x1, s17, s15, $0xb8;
	[tilespmem:$0x2200] =	vst v63  }
0x212: {  	_ = 	snop  }
0x213: {  	[tilespmem:s28], [sflag:$0x1] =	stream.indirect.gather [hbm4b:s9+s15], $0x1, s18, s15, $0xb8;
	[tilespmem:$0x2200] =	vst v63  }
0x214: {  	_ = 	snop  }
0x215: {  	[tilespmem:s29], [sflag:$0x1] =	stream.indirect.gather [hbm4b:s8+s15], $0x1, s7, s15, $0xb8;
	[tilespmem:$0x2200] =	vst v63  }
0x216: {  	_ = 	snop  }
0x217: {  	[tilespmem:s30], [sflag:$0x1] =	stream.indirect.gather [hbm4b:s8+s15], $0x1, s15, s15, $0xb8;
	[tilespmem:$0x2200] =	vst v63  }
0x218: {  	_ = 	snop  }
0x219: {  	[tilespmem:s31], [sflag:$0x1] =	stream.indirect.gather [hbm4b:s8+s15], $0x1, s17, s15, $0xb8;
	[tilespmem:$0x2200] =	vst v63  }
0x21a: {  	_ = 	snop  }
0x21b: {  	[tilespmem:s21], [sflag:$0x1] =	stream.indirect.gather [hbm4b:s8+s15], $0x1, s18, s15, $0xb8;
	[tilespmem:$0x2200] =	vst v63  }
0x21c: {  	_ =	swait.ge [sflag:s5], $0x80  }
0x21d: {  	[sflag:s5] =	ssyncset.done $0x0  }
0x21e: {  	[sflag:s5] =	ssyncadd.s32 $0xFFFFFF80  }
0x21f: {  	_ =	swait.ge [sflag:s5], $0x80  }
0x220: {  	[sflag:s5] =	ssyncset.done $0x0  }
0x221: {  	[sflag:s5] =	ssyncadd.s32 $0xFFFFFF80  }
0x222: {  	_ =	swait.ge [sflag:s5], $0x80  }
0x223: {  	[sflag:s5] =	ssyncset.done $0x0  }
0x224: {  	[sflag:s5] =	ssyncadd.s32 $0xFFFFFF80  }
0x225: {  	_ =	swait.ge [sflag:s5], $0x80  }
0x226: {  	[sflag:s5] =	ssyncset.done $0x0  }
0x227: {  	[sflag:s5] =	ssyncadd.s32 $0xFFFFFF80  }
0x228: {  	_ =	swait.ge [sflag:s5], $0x80  }
0x229: {  	[sflag:s5] =	ssyncset.done $0x0  }
0x22a: {  	[sflag:s5] =	ssyncadd.s32 $0xFFFFFF80  }
0x22b: {  	_ =	swait.ge [sflag:s5], $0x80  }
0x22c: {  	[sflag:s5] =	ssyncset.done $0x0  }
0x22d: {  	[sflag:s5] =	ssyncadd.s32 $0xFFFFFF80  }
0x22e: {  	_ =	swait.ge [sflag:s5], $0x80  }
0x22f: {  	[sflag:s5] =	ssyncset.done $0x0  }
0x230: {  	[sflag:s5] =	ssyncadd.s32 $0xFFFFFF80  }
0x231: {  	_ =	swait.ge [sflag:s5], $0x80  }
0x232: {  	[sflag:s5] =	ssyncset.done $0x0  }
0x233: {  	[sflag:s5] =	ssyncadd.s32 $0xFFFFFF80  }
0x234: {  	_ =	swait.ge [sflag:s5], $0x80  }
0x235: {  	[sflag:s5] =	ssyncset.done $0x0  }
0x236: {  	[sflag:s5] =	ssyncadd.s32 $0xFFFFFF80  }
0x237: {  	_ =	swait.ge [sflag:s5], $0x80  }
0x238: {  	[sflag:s5] =	ssyncset.done $0x0  }
0x239: {  	[sflag:s5] =	ssyncadd.s32 $0xFFFFFF80  }
0x23a: {  	_ =	swait.ge [sflag:s5], $0x80  }
0x23b: {  	[sflag:s5] =	ssyncset.done $0x0  }
0x23c: {  	[sflag:s5] =	ssyncadd.s32 $0xFFFFFF80  }
0x23d: {  	_ =	swait.ge [sflag:s5], $0x80  }
0x23e: {  	[sflag:s5] =	ssyncset.done $0x0  }
0x23f: {  	[sflag:s5] =	ssyncadd.s32 $0xFFFFFF80  }
0x240: {  	_ =	swait.ge [sflag:s5], $0x80  }
0x241: {  	[sflag:s5] =	ssyncset.done $0x0  }
0x242: {  	[sflag:s5] =	ssyncadd.s32 $0xFFFFFF80  }
0x243: {  	_ =	swait.ge [sflag:s5], $0x80  }
0x244: {  	[sflag:s5] =	ssyncset.done $0x0  }
0x245: {  	[sflag:s5] =	ssyncadd.s32 $0xFFFFFF80  }
0x246: {  	_ =	swait.ge [sflag:s5], $0x80  }
0x247: {  	[sflag:s5] =	ssyncset.done $0x0  }
0x248: {  	[sflag:s5] =	ssyncadd.s32 $0xFFFFFF80  }
0x249: {  	_ =	swait.ge [sflag:s5], $0x80  }
0x24a: {  	[sflag:s5] =	ssyncset.done $0x0  }
0x24b: {  	[sflag:s5] =	ssyncadd.s32 $0xFFFFFF80  }
0x24c: {  	_ =	swait.ge [sflag:s5], $0x80  }
0x24d: {  	[sflag:s5] =	ssyncset.done $0x0  }
0x24e: {  	[sflag:s5] =	ssyncadd.s32 $0xFFFFFF80  }
0x24f: {  	_ =	swait.ge [sflag:s5], $0x80  }
0x250: {  	[sflag:s5] =	ssyncset.done $0x0  }
0x251: {  	[sflag:s5] =	ssyncadd.s32 $0xFFFFFF80  }
0x252: {  	_ =	swait.ge [sflag:s5], $0x80  }
0x253: {  	[sflag:s5] =	ssyncset.done $0x0  }
0x254: {  	[sflag:s5] =	ssyncadd.s32 $0xFFFFFF80  }
0x255: {  	_ =	swait.ge [sflag:s5], $0x80  }
0x256: {  	[sflag:s5] =	ssyncset.done $0x0  }
0x257: {  	[sflag:s5] =	ssyncadd.s32 $0xFFFFFF80  }
0x258: {  	_ =	swait.ge [sflag:s5], $0x80  }
0x259: {  	[sflag:s5] =	ssyncset.done $0x0  }
0x25a: {  	[sflag:s5] =	ssyncadd.s32 $0xFFFFFF80  }
0x25b: {  	_ =	swait.ge [sflag:s5], $0x80  }
0x25c: {  	[sflag:s5] =	ssyncset.done $0x0  }
0x25d: {  	[sflag:s5] =	ssyncadd.s32 $0xFFFFFF80  }
0x25e: {  	_ =	swait.ge [sflag:s5], $0x80  }
0x25f: {  	[sflag:s5] =	ssyncset.done $0x0  }
0x260: {  	[sflag:s5] =	ssyncadd.s32 $0xFFFFFF80  }
0x261: {  	_ =	swait.ge [sflag:s5], $0x80  }
0x262: {  	[sflag:s5] =	ssyncset.done $0x0  }
0x263: {  	[sflag:s5] =	ssyncadd.s32 $0xFFFFFF80  }
0x264: {  	_ =	swait.ge [sflag:s5], $0x80  }
0x265: {  	[sflag:s5] =	ssyncset.done $0x0  }
0x266: {  	[sflag:s5] =	ssyncadd.s32 $0xFFFFFF80  }
0x267: {  	_ =	swait.ge [sflag:s5], $0x80  }
0x268: {  	[sflag:s5] =	ssyncset.done $0x0  }
0x269: {  	[sflag:s5] =	ssyncadd.s32 $0xFFFFFF80  }
0x26a: {  	_ =	swait.ge [sflag:s5], $0x80  }
0x26b: {  	[sflag:s5] =	ssyncset.done $0x0  }
0x26c: {  	[sflag:s5] =	ssyncadd.s32 $0xFFFFFF80  }
0x26d: {  	_ =	swait.ge [sflag:s5], $0x80  }
0x26e: {  	[sflag:s5] =	ssyncset.done $0x0  }
0x26f: {  	[sflag:s5] =	ssyncadd.s32 $0xFFFFFF80  }
0x270: {  	_ =	swait.ge [sflag:s5], $0x80  }
0x271: {  	[sflag:s5] =	ssyncset.done $0x0  }
0x272: {  	[sflag:s5] =	ssyncadd.s32 $0xFFFFFF80  }
0x273: {  	_ =	swait.ge [sflag:s5], $0x80  }
0x274: {  	[sflag:s5] =	ssyncset.done $0x0  }
0x275: {  	[sflag:s5] =	ssyncadd.s32 $0xFFFFFF80  }
0x276: {  	_ =	swait.ge [sflag:s5], $0x80  }
0x277: {  	[sflag:s5] =	ssyncset.done $0x0  }
0x278: {  	[sflag:s5] =	ssyncadd.s32 $0xFFFFFF80  }
0x279: {  	_ =	swait.ge [sflag:s5], $0x80  }
0x27a: {  	[sflag:s5] =	ssyncset.done $0x0  }
0x27b: {  	[sflag:s5] =	ssyncadd.s32 $0xFFFFFF80  }
0x27c: {  	_ =	swait.ge [sflag:s5], $0x80  }
0x27d: {  	[sflag:s5] =	ssyncset.done $0x0  }
0x27e: {  	[sflag:s5] =	ssyncadd.s32 $0xFFFFFF80  }
0x27f: {  	_ =	swait.ge [sflag:s5], $0x80  }
0x280: {  	[sflag:s5] =	ssyncset.done $0x0  }
0x281: {  	[sflag:s5] =	ssyncadd.s32 $0xFFFFFF80  }
0x282: {  	_ =	swait.ge [sflag:s5], $0x80  }
0x283: {  	[sflag:s5] =	ssyncset.done $0x0  }
0x284: {  	[sflag:s5] =	ssyncadd.s32 $0xFFFFFF80  }
0x285: {  	_ =	swait.ge [sflag:s5], $0x80  }
0x286: {  	[sflag:s5] =	ssyncset.done $0x0  }
0x287: {  	[sflag:s5] =	ssyncadd.s32 $0xFFFFFF80  }
0x288: {  	_ =	swait.ge [sflag:s5], $0x80  }
0x289: {  	[sflag:s5] =	ssyncset.done $0x0  }
0x28a: {  	[sflag:s5] =	ssyncadd.s32 $0xFFFFFF80  }
0x28b: {  	_ =	swait.ge [sflag:s5], $0x80  }
0x28c: {  	[sflag:s5] =	ssyncset.done $0x0  }
0x28d: {  	[sflag:s5] =	ssyncadd.s32 $0xFFFFFF80  }
0x28e: {  	_ =	swait.ge [sflag:s5], $0x80  }
0x28f: {  	[sflag:s5] =	ssyncset.done $0x0  }
0x290: {  	[sflag:s5] =	ssyncadd.s32 $0xFFFFFF80  }
0x291: {  	_ =	swait.ge [sflag:s5], $0x80  }
0x292: {  	[sflag:s5] =	ssyncset.done $0x0  }
0x293: {  	s31 =	simm.s32 $0x20000;
	s30 =	rddreg [dreg:$0x5];
	[sflag:s5] =	ssyncadd.s32 $0xFFFFFF80  }
0x294: {  	[hbm4b:s30+s4] =	stream.strided.scatter [tilespmem:s3], [sflag:$0x2], $0x2000, s31, s4, $0x38;
	[tilespmem:$0x2200] =	vst v63  }
0x295: {  	_ =	swait.ge [sflag:s2], $0x2000  }
0x296: {  	[sflag:s2] =	ssyncset.done $0x0  }
0x297: {  	[sflag:s2] =	ssyncadd.s32 $0xFFFFE000  }
0x298: {  	_ =	sfence.sel $0x180000  }
0x299: {  	[bflag:$0x0] =	sbarrier.arrive $0xFFFF  }
0x29a: {  	_ =	strace $0x90000047  }
0x29b: {  	[bflag:$0x2] =	sbarrier.arrive $0xFFFF  }
0x29c: {  	p0 =	sne.s32 s6, $0x0;
	s0 =	rddreg [dreg:$0x3]  }
0x29d: {  	s0 =	sadd.s32 @!p0 $0x100000, s0  }
0x29e: {  	[sflag:s0] =	ssyncadd.tile.s32 @!p0 $0x1;
	_ =	shalt  }
.LBB2_1:
.Ltmp3:
0x29f: {  	(pc) =	sbr.rel .LBB2_6-.Ltmp3, $4  }
0x2a0: {  	s21 =	simm.s32 $0x1E80  }
0x2a1: {  	s31 =	simm.s32 $0x1A80;
	s30 =	simm.s32 $0x1680;
	s29 =	simm.s32 $0x1280  }
0x2a2: {  	s28 =	simm.s32 $0x1E00;
	s26 =	simm.s32 $0x1A00;
	s25 =	simm.s32 $0x1600  }
0x2a3: {  	s24 =	simm.s32 $0x1200;
	s23 =	simm.s32 $0x1180;
	s22 =	simm.s32 $0xD80  }
.LBB2_3:
.Ltmp4:
0x2a4: {  	(pc) =	sbr.rel .LBB2_6-.Ltmp4, $4  }
0x2a5: {  	s21 =	simm.s32 $0x1E80;
	s31 =	simm.s32 $0x1A80  }
0x2a6: {  	s30 =	simm.s32 $0x1680;
	s29 =	simm.s32 $0x1280;
	s28 =	simm.s32 $0x1E00  }
0x2a7: {  	s26 =	simm.s32 $0x1A00;
	s25 =	simm.s32 $0x1600;
	s24 =	simm.s32 $0x1200  }
0x2a8: {  	s23 =	simm.s32 $0x1180;
	s22 =	simm.s32 $0xD80;
	s6 =	stileid.u32  }
.Lfunc_end2:
_tile_overlayer_lowered:
.L_overlay_start_2:
0x2a9: {  	(tag) =	ssettag $0x2  }
0x2aa: {  	s0 =	rddreg [dreg:$0x0];
	s2 =	stileid.u32  }
0x2ab: {  	s1 =	rddreg [dreg:$0x1];
	p0 =	sne.s32 s2, $0x0  }
0x2ac: {  	s3 =	rddreg [dreg:$0x2];
	[bflag:$0x3] =	sbarrier.arrive $0xFFFF;
	s2 =	simm.s32 @!p0 $0x1C02  }
0x2ad: {  	[timem:s3], [sflag:s2] =	dma.local @!p0 [hbm:s0], s1  }
0x2ae: {  	s0 =	simm.s32 @!p0 $0x2  }
0x2af: {  	_ =	swait.ge @!p0 [sflag:s0], s1  }
0x2b0: {  	s1 =	ssub.s32 @!p0 $0x0, s1;
	[sflag:s0] =	ssyncset.done @!p0 $0x0  }
0x2b1: {  	[sflag:s0] =	ssyncadd.s32 @!p0 s1  }
0x2b2: {  	[bflag:$0x3] =	sbarrier.arrive $0xFFFF  }
0x2b3: {  	_ =	shalt  }

</sc_bundles>
